<compile_context>
chip_gen: v7x
topology: tpu7x:2x2x1
jax: 0.10.2.dev20260603
libtpu: 0.0.44.dev20260713+nightly
codegen_flags: <defaults>
</compile_context>

<pallas_src>
import functools

import jax
import jax.numpy as jnp
from jax import lax
from jax.experimental import pallas as pl
from jax.experimental.pallas import tpu as pltpu
from jax.experimental.pallas import tpu_sc as plsc

EPS = 1e-7
MAX_NORM = 1.0 - 1e-5

_SC_PARAMS = pltpu.CompilerParams(use_tc_tiling_on_sc=False)

NC = 2
NS = 16
NW = NC * NS
GCH = 80
L = 16


def _norm(x):
    return jnp.sqrt(jnp.clip(jnp.sum(x * x, axis=-1, keepdims=True), EPS, None))


def _artanh(x):
    x = jnp.clip(x, -1.0 + EPS, 1.0 - EPS)
    return 0.5 * (jnp.log1p(x) - jnp.log1p(-x))


def _mobius_add(x, y):
    x2 = jnp.sum(x * x, axis=-1, keepdims=True)
    y2 = jnp.sum(y * y, axis=-1, keepdims=True)
    xy = jnp.sum(x * y, axis=-1, keepdims=True)
    num = (1.0 + 2.0 * xy + y2) * x + (1.0 - x2) * y
    den = 1.0 + 2.0 * xy + x2 * y2
    return num / jnp.maximum(den, EPS)


def _project(x):
    n = _norm(x)
    scale = jnp.where(n > MAX_NORM, MAX_NORM / n, 1.0)
    return x * scale


def _expmap0(u):
    n = _norm(u)
    return _project(jnp.tanh(n) * u / n)


def _lambda(p):
    return 2.0 / jnp.clip(1.0 - jnp.sum(p * p, axis=-1, keepdims=True), EPS, None)


def _expmap(u, p):
    n = _norm(u)
    second = jnp.tanh(0.5 * _lambda(p) * n) * u / n
    return _project(_mobius_add(p, second))


def _logmap(x, p):
    sub = _mobius_add(-p, x)
    n = _norm(sub)
    return (2.0 / _lambda(p)) * _artanh(n) * sub / n


NSUB = 5
KCH = NSUB * GCH


def _make_gather(N, E, D):
    epw = E // NW
    nmac = epw // KCH
    mesh = plsc.VectorSubcoreMesh(core_axis_name="c", subcore_axis_name="s")

    @functools.partial(
        pl.kernel,
        out_type=(
            jax.ShapeDtypeStruct((E, D), jnp.float32),
            jax.ShapeDtypeStruct((E, D), jnp.float32),
        ),
        mesh=mesh,
        scratch_types=[
            pltpu.VMEM((NSUB, GCH), jnp.int32),
            pltpu.VMEM((KCH, D), jnp.float32),
            pltpu.SemaphoreType.DMA,
        ],
        compiler_params=_SC_PARAMS,
    )
    def gather_k(ego_hbm, heads2_hbm, tails2_hbm, hout, tout, idx_v, rows_v, sem):
        wid = lax.axis_index("s") * NC + lax.axis_index("c")
        base = pl.multiple_of(wid * epw, 8)
        crow0 = wid * (epw // GCH)

        def run(idx2_hbm, out_hbm):
            @pl.loop(0, nmac)
            def _(ci):
                off = pl.multiple_of(base + ci * KCH, 8)
                pltpu.sync_copy(idx2_hbm.at[pl.ds(crow0 + ci * NSUB, NSUB)],
                                idx_v)
                copies = [
                    pltpu.async_copy(ego_hbm.at[idx_v.at[j]],
                                     rows_v.at[pl.ds(j * GCH, GCH)], sem)
                    for j in range(NSUB)
                ]
                for c in copies:
                    c.wait()
                pltpu.sync_copy(rows_v, out_hbm.at[pl.ds(off, KCH)])

        run(heads2_hbm, hout)
        run(tails2_hbm, tout)

    return gather_k


def _make_scatter(N, E, D):
    hn = N // NC
    acc = hn + 8
    eps_ = E // NS
    nmac = eps_ // KCH
    rps = (acc // NS) // 8 * 8
    tail = acc - NS * rps
    stg = rps + tail
    dtail = hn - NS * rps
    mesh = plsc.VectorSubcoreMesh(core_axis_name="c", subcore_axis_name="s")

    @functools.partial(
        pl.kernel,
        out_type=(
            jax.ShapeDtypeStruct((N, D), jnp.float32),
            jax.ShapeDtypeStruct((N, 16), jnp.float32),
        ),
        mesh=mesh,
        scratch_types=[
            pltpu.VMEM((GCH,), jnp.int32),
            pltpu.VMEM((GCH, D), jnp.float32),
            pltpu.VMEM((GCH, 16), jnp.float32),
            pltpu.VMEM((stg, D), jnp.float32),
            pltpu.VMEM((stg, 16), jnp.float32),
            pltpu.VMEM_SHARED((acc, D), jnp.float32),
            pltpu.VMEM_SHARED((acc, 16), jnp.float32),
        ],
        compiler_params=_SC_PARAMS,
    )
    def scatter_k(res_hbm, heads_hbm, zsum_hbm, zcnt_hbm, ones_hbm,
                  osum, ocnt, idx_v, rows_v, ones_v, stg_s, stg_c, ssum, scnt):
        cid = lax.axis_index("c")
        sid = lax.axis_index("s")
        base = pl.multiple_of(sid * eps_, 8)
        row0 = sid * rps
        t0 = NS * rps
        nlo = cid * hn

        pltpu.sync_copy(zsum_hbm, stg_s)
        pltpu.sync_copy(zcnt_hbm, stg_c)
        pltpu.sync_copy(stg_s.at[pl.ds(0, rps)], ssum.at[pl.ds(row0, rps)])
        pltpu.sync_copy(stg_c.at[pl.ds(0, rps)], scnt.at[pl.ds(row0, rps)])

        @pl.when(sid == NS - 1)
        def _():
            pltpu.sync_copy(stg_s.at[pl.ds(rps, tail)], ssum.at[pl.ds(t0, tail)])
            pltpu.sync_copy(stg_c.at[pl.ds(rps, tail)], scnt.at[pl.ds(t0, tail)])

        pltpu.sync_copy(ones_hbm, ones_v)
        plsc.subcore_barrier()

        @pl.loop(0, nmac * NSUB)
        def _(ci):
            off = pl.multiple_of(base + ci * GCH, 8)
            pltpu.sync_copy(heads_hbm.at[pl.ds(off, GCH)], idx_v)
            pltpu.sync_copy(res_hbm.at[pl.ds(off, GCH)], rows_v)

            @pl.loop(0, GCH // L)
            def _(j):
                v = idx_v[pl.ds(j * L, L)] - nlo
                ok = (v >= 0) & (v < hn)
                idx_v[pl.ds(j * L, L)] = jnp.where(ok, v, hn)

            pltpu.sync_copy(rows_v, ssum.at[idx_v], add=True)
            pltpu.sync_copy(ones_v, scnt.at[idx_v], add=True)

        plsc.subcore_barrier()
        pltpu.sync_copy(ssum.at[pl.ds(row0, rps)], stg_s.at[pl.ds(0, rps)])
        pltpu.sync_copy(scnt.at[pl.ds(row0, rps)], stg_c.at[pl.ds(0, rps)])

        @pl.when(sid == NS - 1)
        def _():
            pltpu.sync_copy(ssum.at[pl.ds(t0, dtail)], stg_s.at[pl.ds(rps, dtail)])
            pltpu.sync_copy(scnt.at[pl.ds(t0, dtail)], stg_c.at[pl.ds(rps, dtail)])
            pltpu.sync_copy(stg_s.at[pl.ds(0, rps + dtail)],
                            osum.at[pl.ds(nlo + row0, rps + dtail)])
            pltpu.sync_copy(stg_c.at[pl.ds(0, rps + dtail)],
                            ocnt.at[pl.ds(nlo + row0, rps + dtail)])

        @pl.when(sid != NS - 1)
        def _():
            pltpu.sync_copy(stg_s.at[pl.ds(0, rps)],
                            osum.at[pl.ds(nlo + row0, rps)])
            pltpu.sync_copy(stg_c.at[pl.ds(0, rps)],
                            ocnt.at[pl.ds(nlo + row0, rps)])

    return scatter_k


def _edge_math_body(h_ref, t_ref, et_ref, rel_ref, o_ref):
    h = h_ref[...]
    t = t_ref[...]
    et = et_ref[...]
    rel_tab = rel_ref[...]
    R = rel_tab.shape[0]
    onehot = (et == lax.broadcasted_iota(jnp.int32, (1, R), 1)).astype(jnp.float32)
    r = jnp.dot(onehot, rel_tab, preferred_element_type=jnp.float32)
    p = _expmap0(h)
    ht = _expmap(t, p)
    hr = _expmap(r, p)
    res = _project(_mobius_add(ht, hr))
    o_ref[...] = _logmap(res, p)


def _divide_body(s_ref, c_ref, o_ref):
    o_ref[...] = s_ref[...] / jnp.maximum(c_ref[:, 0:1], 1.0)


@jax.jit
def _run(ego_embed, edge_index, edge_type, relation_embed):
    N, D = ego_embed.shape
    E = edge_index.shape[1]
    R = relation_embed.shape[0]
    heads = edge_index[0]
    tails = edge_index[1]
    heads2 = heads.reshape(E // GCH, GCH)
    tails2 = tails.reshape(E // GCH, GCH)

    h_emb, t_emb = _make_gather(N, E, D)(ego_embed, heads2, tails2)

    EB = 2560
    neb = E // EB
    res = pl.pallas_call(
        _edge_math_body,
        grid=(neb,),
        in_specs=[
            pl.BlockSpec((EB, D), lambda i: (i, 0)),
            pl.BlockSpec((EB, D), lambda i: (i, 0)),
            pl.BlockSpec((EB, 1), lambda i: (i, 0)),
            pl.BlockSpec((R, D), lambda i: (0, 0)),
        ],
        out_specs=pl.BlockSpec((EB, D), lambda i: (i, 0)),
        out_shape=jax.ShapeDtypeStruct((E, D), jnp.float32),
    )(h_emb, t_emb, edge_type.reshape(E, 1), relation_embed)

    acc = N // NC + 8
    rps = (acc // NS) // 8 * 8
    stg = rps + (acc - NS * rps)
    zsum = jnp.zeros((stg, D), jnp.float32)
    zcnt = jnp.zeros((stg, 16), jnp.float32)
    ones = jnp.ones((GCH, 16), jnp.float32)
    sums, cnts = _make_scatter(N, E, D)(res, heads, zsum, zcnt, ones)

    NB = 2000
    out = pl.pallas_call(
        _divide_body,
        grid=(N // NB,),
        in_specs=[
            pl.BlockSpec((NB, D), lambda i: (i, 0)),
            pl.BlockSpec((NB, 16), lambda i: (i, 0)),
        ],
        out_specs=pl.BlockSpec((NB, D), lambda i: (i, 0)),
        out_shape=jax.ShapeDtypeStruct((N, D), jnp.float32),
    )(sums, cnts)
    return out


def kernel(ego_embed, edge_index, edge_type, relation_embed):
    return _run(ego_embed, edge_index, edge_type, relation_embed)

# --- scband reference (transcript-rebuilt; emitter-appended) ---
"""Pipeline reference for scband-aggregator-309237645952 (READ-ONLY COPY).

The authoritative reference and input builder live on the scoring server;
editing this copy changes nothing except your own understanding.
"""

import jax, jax.numpy as jnp
import numpy as np

EPS = 1e-7
MAX_NORM = 1.0 - 1e-5


def _norm(x):
    return jnp.sqrt(jnp.clip(jnp.sum(x * x, axis=-1, keepdims=True), EPS, None))


def artanh(x):
    x = jnp.clip(x, -1.0 + EPS, 1.0 - EPS)
    return 0.5 * (jnp.log1p(x) - jnp.log1p(-x))


def mobius_add(x, y):
    x2 = jnp.sum(x * x, axis=-1, keepdims=True)
    y2 = jnp.sum(y * y, axis=-1, keepdims=True)
    xy = jnp.sum(x * y, axis=-1, keepdims=True)
    num = (1.0 + 2.0 * xy + y2) * x + (1.0 - x2) * y
    den = 1.0 + 2.0 * xy + x2 * y2
    return num / jnp.maximum(den, EPS)


def project(x):
    n = _norm(x)
    scale = jnp.where(n > MAX_NORM, MAX_NORM / n, 1.0)
    return x * scale


def expmap0(u):
    n = _norm(u)
    return project(jnp.tanh(n) * u / n)


def _lambda(p):
    return 2.0 / jnp.clip(1.0 - jnp.sum(p * p, axis=-1, keepdims=True), EPS, None)


def expmap(u, p):
    n = _norm(u)
    second = jnp.tanh(0.5 * _lambda(p) * n) * u / n
    return project(mobius_add(p, second))


def logmap(x, p):
    sub = mobius_add(-p, x)
    n = _norm(sub)
    return (2.0 / _lambda(p)) * artanh(n) * sub / n


def setup_inputs(seed: int = 0):
    key = jax.random.key(seed)
    k1, k2, k3, k4 = jax.random.split(key, 4)
    N, E, D, R = 10000, 320000, 128, 16
    ego_embed = jax.random.normal(k1, (N, D), dtype=jnp.float32) * 0.02
    edge_index = jax.random.randint(k2, (2, E), 0, N, dtype=jnp.int32)
    edge_type = jax.random.randint(k3, (E,), 0, R, dtype=jnp.int32)
    relation_embed = jax.random.normal(k4, (R, D), dtype=jnp.float32) * 0.02
    return {"ego_embed": ego_embed, "edge_index": edge_index, "edge_type": edge_type, "relation_embed": relation_embed}


def reference(ego_embed, edge_index, edge_type, relation_embed):
    head = edge_index[0]
    tail = edge_index[1]
    n_entities = ego_embed.shape[0]
    head_emb = jnp.take(ego_embed, head, axis=0)
    tail_emb = jnp.take(ego_embed, tail, axis=0)
    relation_emb = jnp.take(relation_embed, edge_type, axis=0)
    hyper_head_emb = expmap0(head_emb)
    hyper_tail_emb = expmap(tail_emb, hyper_head_emb)
    hyper_relation_emb = expmap(relation_emb, hyper_head_emb)
    res = project(mobius_add(hyper_tail_emb, hyper_relation_emb))
    res = logmap(res, hyper_head_emb)
    sums = jax.ops.segment_sum(res, head, num_segments=n_entities)
    counts = jax.ops.segment_sum(jnp.ones((head.shape[0],), jnp.float32), head, num_segments=n_entities)
    entity_agg = sums / jnp.maximum(counts, 1.0)[:, None]
    return entity_agg

if __name__ == "__main__":
    import jax
    _d = setup_inputs()
    print(jax.jit(kernel)(*tuple(_d.values())))

</pallas_src>

<mosaic_0001>
#map = affine_map<(d0, d1) -> (0, 0)>
#map1 = affine_map<(d0, d1) -> (0)>
module attributes {stable_mosaic.version = 14 : i64} {
  func.func @scatter_k(%arg0: i32, %arg1: i32, %arg2: memref<320000x128xf32, #tpu.memory_space<hbm>>, %arg3: memref<320000xi32, #tpu.memory_space<hbm>>, %arg4: memref<328x128xf32, #tpu.memory_space<hbm>>, %arg5: memref<328x16xf32, #tpu.memory_space<hbm>>, %arg6: memref<80x16xf32, #tpu.memory_space<hbm>>, %arg7: memref<10000x128xf32, #tpu.memory_space<hbm>>, %arg8: memref<10000x16xf32, #tpu.memory_space<hbm>>, %arg9: memref<80xi32, #tpu.memory_space<vmem>>, %arg10: memref<80x128xf32, #tpu.memory_space<vmem>>, %arg11: memref<80x16xf32, #tpu.memory_space<vmem>>, %arg12: memref<328x128xf32, #tpu.memory_space<vmem>>, %arg13: memref<328x16xf32, #tpu.memory_space<vmem>>, %arg14: memref<5008x128xf32, #tpu.memory_space<vmem_shared>>, %arg15: memref<5008x16xf32, #tpu.memory_space<vmem_shared>>) attributes {dimension_semantics = [#tpu.dimension_semantics<core_parallel>, #tpu.dimension_semantics<subcore_parallel>], iteration_bounds = array<i64: 2, 16>, scalar_prefetch = 0 : i64, scratch_operands = 7 : i64, tpu.core_type = #tpu.core_type<sc_vector_subcore>, window_params = [{transform_indices = #map}, {transform_indices = #map1}, {transform_indices = #map}, {transform_indices = #map}, {transform_indices = #map}, {transform_indices = #map}, {transform_indices = #map}]} {
    %mul3A = arith.constant 20000 : i32
    %mul3A_0 = arith.muli %arg1, %mul3A : i32
    %multiple_of3A = tpu.assume_multiple %mul3A_0, 8 : i32
    %mul3A_1 = arith.constant 312 : i32
    %mul3A_2 = arith.muli %arg1, %mul3A_1 : i32
    %mul3A_3 = arith.constant 5000 : i32
    %mul3A_4 = arith.muli %arg0, %mul3A_3 : i32
    "tpu.region"() ({
      %run_scoped3A = tpu.sem_alloc : memref<!tpu.dma_semaphore, #tpu.memory_space<semaphore_mem>>
      tpu.enqueue_dma source(%arg4 : memref<328x128xf32, #tpu.memory_space<hbm>>) target(%arg12 : memref<328x128xf32, #tpu.memory_space<vmem>>) target_semaphore(%run_scoped3A : memref<!tpu.dma_semaphore, #tpu.memory_space<semaphore_mem>>)
      tpu.wait_dma2 semaphore(%run_scoped3A : memref<!tpu.dma_semaphore, #tpu.memory_space<semaphore_mem>>) src(%arg4 : memref<328x128xf32, #tpu.memory_space<hbm>>) dst(%arg12 : memref<328x128xf32, #tpu.memory_space<vmem>>)
      tpu.yield
    }) : () -> ()
    "tpu.region"() ({
      %run_scoped3A = tpu.sem_alloc : memref<!tpu.dma_semaphore, #tpu.memory_space<semaphore_mem>>
      tpu.enqueue_dma source(%arg5 : memref<328x16xf32, #tpu.memory_space<hbm>>) target(%arg13 : memref<328x16xf32, #tpu.memory_space<vmem>>) target_semaphore(%run_scoped3A : memref<!tpu.dma_semaphore, #tpu.memory_space<semaphore_mem>>)
      tpu.wait_dma2 semaphore(%run_scoped3A : memref<!tpu.dma_semaphore, #tpu.memory_space<semaphore_mem>>) src(%arg5 : memref<328x16xf32, #tpu.memory_space<hbm>>) dst(%arg13 : memref<328x16xf32, #tpu.memory_space<vmem>>)
      tpu.yield
    }) : () -> ()
    "tpu.region"() ({
      %run_scoped3A = tpu.sem_alloc : memref<!tpu.dma_semaphore, #tpu.memory_space<semaphore_mem>>
      %dma_start3A = arith.constant 0 : i32
      %dma_start3A_21 = arith.constant 0 : i32
      %dma_start3A_22 = tpu.memref_slice %arg12[%dma_start3A, %dma_start3A_21] : memref<328x128xf32, #tpu.memory_space<vmem>> -> memref<312x128xf32, #tpu.memory_space<vmem>>
      %dma_start3A_23 = arith.constant 0 : i32
      %dma_start3A_24 = tpu.memref_slice %arg14[%mul3A_2, %dma_start3A_23] : memref<5008x128xf32, #tpu.memory_space<vmem_shared>> -> memref<312x128xf32, #tpu.memory_space<vmem_shared>>
      %dma_start3A_25 = arith.constant 0 : i32
      %dma_start3A_26 = tpu.memref_slice %arg14[%mul3A_2, %dma_start3A_25] : memref<5008x128xf32, #tpu.memory_space<vmem_shared>> -> memref<312x128xf32, #tpu.memory_space<vmem_shared>>
      %dma_start3A_27 = arith.constant 0 : i32
      %dma_start3A_28 = arith.constant 0 : i32
      %dma_start3A_29 = tpu.memref_slice %arg12[%dma_start3A_27, %dma_start3A_28] : memref<328x128xf32, #tpu.memory_space<vmem>> -> memref<312x128xf32, #tpu.memory_space<vmem>>
      tpu.enqueue_dma source(%dma_start3A_29 : memref<312x128xf32, #tpu.memory_space<vmem>>) target(%dma_start3A_26 : memref<312x128xf32, #tpu.memory_space<vmem_shared>>) target_semaphore(%run_scoped3A : memref<!tpu.dma_semaphore, #tpu.memory_space<semaphore_mem>>)
      %dma_wait3A = arith.constant 0 : i32
      %dma_wait3A_30 = arith.constant 0 : i32
      %dma_wait3A_31 = tpu.memref_slice %arg12[%dma_wait3A, %dma_wait3A_30] : memref<328x128xf32, #tpu.memory_space<vmem>> -> memref<312x128xf32, #tpu.memory_space<vmem>>
      %dma_wait3A_32 = arith.constant 0 : i32
      %dma_wait3A_33 = tpu.memref_slice %arg14[%mul3A_2, %dma_wait3A_32] : memref<5008x128xf32, #tpu.memory_space<vmem_shared>> -> memref<312x128xf32, #tpu.memory_space<vmem_shared>>
      %dma_wait3A_34 = arith.constant 0 : i32
      %dma_wait3A_35 = tpu.memref_slice %arg14[%mul3A_2, %dma_wait3A_34] : memref<5008x128xf32, #tpu.memory_space<vmem_shared>> -> memref<312x128xf32, #tpu.memory_space<vmem_shared>>
      %dma_wait3A_36 = arith.constant 0 : i32
      %dma_wait3A_37 = arith.constant 0 : i32
      %dma_wait3A_38 = tpu.memref_slice %arg12[%dma_wait3A_36, %dma_wait3A_37] : memref<328x128xf32, #tpu.memory_space<vmem>> -> memref<312x128xf32, #tpu.memory_space<vmem>>
      tpu.wait_dma2 semaphore(%run_scoped3A : memref<!tpu.dma_semaphore, #tpu.memory_space<semaphore_mem>>) src(%dma_wait3A_38 : memref<312x128xf32, #tpu.memory_space<vmem>>) dst(%dma_wait3A_35 : memref<312x128xf32, #tpu.memory_space<vmem_shared>>)
      tpu.yield
    }) : () -> ()
    "tpu.region"() ({
      %run_scoped3A = tpu.sem_alloc : memref<!tpu.dma_semaphore, #tpu.memory_space<semaphore_mem>>
      %dma_start3A = arith.constant 0 : i32
      %dma_start3A_21 = arith.constant 0 : i32
      %dma_start3A_22 = tpu.memref_slice %arg13[%dma_start3A, %dma_start3A_21] : memref<328x16xf32, #tpu.memory_space<vmem>> -> memref<312x16xf32, #tpu.memory_space<vmem>>
      %dma_start3A_23 = arith.constant 0 : i32
      %dma_start3A_24 = tpu.memref_slice %arg15[%mul3A_2, %dma_start3A_23] : memref<5008x16xf32, #tpu.memory_space<vmem_shared>> -> memref<312x16xf32, #tpu.memory_space<vmem_shared>>
      %dma_start3A_25 = arith.constant 0 : i32
      %dma_start3A_26 = tpu.memref_slice %arg15[%mul3A_2, %dma_start3A_25] : memref<5008x16xf32, #tpu.memory_space<vmem_shared>> -> memref<312x16xf32, #tpu.memory_space<vmem_shared>>
      %dma_start3A_27 = arith.constant 0 : i32
      %dma_start3A_28 = arith.constant 0 : i32
      %dma_start3A_29 = tpu.memref_slice %arg13[%dma_start3A_27, %dma_start3A_28] : memref<328x16xf32, #tpu.memory_space<vmem>> -> memref<312x16xf32, #tpu.memory_space<vmem>>
      tpu.enqueue_dma source(%dma_start3A_29 : memref<312x16xf32, #tpu.memory_space<vmem>>) target(%dma_start3A_26 : memref<312x16xf32, #tpu.memory_space<vmem_shared>>) target_semaphore(%run_scoped3A : memref<!tpu.dma_semaphore, #tpu.memory_space<semaphore_mem>>)
      %dma_wait3A = arith.constant 0 : i32
      %dma_wait3A_30 = arith.constant 0 : i32
      %dma_wait3A_31 = tpu.memref_slice %arg13[%dma_wait3A, %dma_wait3A_30] : memref<328x16xf32, #tpu.memory_space<vmem>> -> memref<312x16xf32, #tpu.memory_space<vmem>>
      %dma_wait3A_32 = arith.constant 0 : i32
      %dma_wait3A_33 = tpu.memref_slice %arg15[%mul3A_2, %dma_wait3A_32] : memref<5008x16xf32, #tpu.memory_space<vmem_shared>> -> memref<312x16xf32, #tpu.memory_space<vmem_shared>>
      %dma_wait3A_34 = arith.constant 0 : i32
      %dma_wait3A_35 = tpu.memref_slice %arg15[%mul3A_2, %dma_wait3A_34] : memref<5008x16xf32, #tpu.memory_space<vmem_shared>> -> memref<312x16xf32, #tpu.memory_space<vmem_shared>>
      %dma_wait3A_36 = arith.constant 0 : i32
      %dma_wait3A_37 = arith.constant 0 : i32
      %dma_wait3A_38 = tpu.memref_slice %arg13[%dma_wait3A_36, %dma_wait3A_37] : memref<328x16xf32, #tpu.memory_space<vmem>> -> memref<312x16xf32, #tpu.memory_space<vmem>>
      tpu.wait_dma2 semaphore(%run_scoped3A : memref<!tpu.dma_semaphore, #tpu.memory_space<semaphore_mem>>) src(%dma_wait3A_38 : memref<312x16xf32, #tpu.memory_space<vmem>>) dst(%dma_wait3A_35 : memref<312x16xf32, #tpu.memory_space<vmem_shared>>)
      tpu.yield
    }) : () -> ()
    %eq3A = arith.constant 15 : i32
    %eq3A_5 = arith.cmpi eq, %arg1, %eq3A : i32
    %convert_element_type3A = arith.extui %eq3A_5 : i1 to i32
    %cond3A = arith.constant 0 : i32
    %cond3A_6 = arith.cmpi ne, %convert_element_type3A, %cond3A : i32
    scf.if %cond3A_6 {
      "tpu.region"() ({
        %run_scoped3A = tpu.sem_alloc : memref<!tpu.dma_semaphore, #tpu.memory_space<semaphore_mem>>
        %dma_start3A = arith.constant 312 : i32
        %dma_start3A_21 = arith.constant 0 : i32
        %dma_start3A_22 = tpu.memref_slice %arg12[%dma_start3A, %dma_start3A_21] : memref<328x128xf32, #tpu.memory_space<vmem>> -> memref<16x128xf32, #tpu.memory_space<vmem>>
        %dma_start3A_23 = arith.constant 4992 : i32
        %dma_start3A_24 = arith.constant 0 : i32
        %dma_start3A_25 = tpu.memref_slice %arg14[%dma_start3A_23, %dma_start3A_24] : memref<5008x128xf32, #tpu.memory_space<vmem_shared>> -> memref<16x128xf32, #tpu.memory_space<vmem_shared>>
        %dma_start3A_26 = arith.constant 4992 : i32
        %dma_start3A_27 = arith.constant 0 : i32
        %dma_start3A_28 = tpu.memref_slice %arg14[%dma_start3A_26, %dma_start3A_27] : memref<5008x128xf32, #tpu.memory_space<vmem_shared>> -> memref<16x128xf32, #tpu.memory_space<vmem_shared>>
        %dma_start3A_29 = arith.constant 312 : i32
        %dma_start3A_30 = arith.constant 0 : i32
        %dma_start3A_31 = tpu.memref_slice %arg12[%dma_start3A_29, %dma_start3A_30] : memref<328x128xf32, #tpu.memory_space<vmem>> -> memref<16x128xf32, #tpu.memory_space<vmem>>
        tpu.enqueue_dma source(%dma_start3A_31 : memref<16x128xf32, #tpu.memory_space<vmem>>) target(%dma_start3A_28 : memref<16x128xf32, #tpu.memory_space<vmem_shared>>) target_semaphore(%run_scoped3A : memref<!tpu.dma_semaphore, #tpu.memory_space<semaphore_mem>>)
        %dma_wait3A = arith.constant 312 : i32
        %dma_wait3A_32 = arith.constant 0 : i32
        %dma_wait3A_33 = tpu.memref_slice %arg12[%dma_wait3A, %dma_wait3A_32] : memref<328x128xf32, #tpu.memory_space<vmem>> -> memref<16x128xf32, #tpu.memory_space<vmem>>
        %dma_wait3A_34 = arith.constant 4992 : i32
        %dma_wait3A_35 = arith.constant 0 : i32
        %dma_wait3A_36 = tpu.memref_slice %arg14[%dma_wait3A_34, %dma_wait3A_35] : memref<5008x128xf32, #tpu.memory_space<vmem_shared>> -> memref<16x128xf32, #tpu.memory_space<vmem_shared>>
        %dma_wait3A_37 = arith.constant 4992 : i32
        %dma_wait3A_38 = arith.constant 0 : i32
        %dma_wait3A_39 = tpu.memref_slice %arg14[%dma_wait3A_37, %dma_wait3A_38] : memref<5008x128xf32, #tpu.memory_space<vmem_shared>> -> memref<16x128xf32, #tpu.memory_space<vmem_shared>>
        %dma_wait3A_40 = arith.constant 312 : i32
        %dma_wait3A_41 = arith.constant 0 : i32
        %dma_wait3A_42 = tpu.memref_slice %arg12[%dma_wait3A_40, %dma_wait3A_41] : memref<328x128xf32, #tpu.memory_space<vmem>> -> memref<16x128xf32, #tpu.memory_space<vmem>>
        tpu.wait_dma2 semaphore(%run_scoped3A : memref<!tpu.dma_semaphore, #tpu.memory_space<semaphore_mem>>) src(%dma_wait3A_42 : memref<16x128xf32, #tpu.memory_space<vmem>>) dst(%dma_wait3A_39 : memref<16x128xf32, #tpu.memory_space<vmem_shared>>)
        tpu.yield
      }) : () -> ()
      "tpu.region"() ({
        %run_scoped3A = tpu.sem_alloc : memref<!tpu.dma_semaphore, #tpu.memory_space<semaphore_mem>>
        %dma_start3A = arith.constant 312 : i32
        %dma_start3A_21 = arith.constant 0 : i32
        %dma_start3A_22 = tpu.memref_slice %arg13[%dma_start3A, %dma_start3A_21] : memref<328x16xf32, #tpu.memory_space<vmem>> -> memref<16x16xf32, #tpu.memory_space<vmem>>
        %dma_start3A_23 = arith.constant 4992 : i32
        %dma_start3A_24 = arith.constant 0 : i32
        %dma_start3A_25 = tpu.memref_slice %arg15[%dma_start3A_23, %dma_start3A_24] : memref<5008x16xf32, #tpu.memory_space<vmem_shared>> -> memref<16x16xf32, #tpu.memory_space<vmem_shared>>
        %dma_start3A_26 = arith.constant 4992 : i32
        %dma_start3A_27 = arith.constant 0 : i32
        %dma_start3A_28 = tpu.memref_slice %arg15[%dma_start3A_26, %dma_start3A_27] : memref<5008x16xf32, #tpu.memory_space<vmem_shared>> -> memref<16x16xf32, #tpu.memory_space<vmem_shared>>
        %dma_start3A_29 = arith.constant 312 : i32
        %dma_start3A_30 = arith.constant 0 : i32
        %dma_start3A_31 = tpu.memref_slice %arg13[%dma_start3A_29, %dma_start3A_30] : memref<328x16xf32, #tpu.memory_space<vmem>> -> memref<16x16xf32, #tpu.memory_space<vmem>>
        tpu.enqueue_dma source(%dma_start3A_31 : memref<16x16xf32, #tpu.memory_space<vmem>>) target(%dma_start3A_28 : memref<16x16xf32, #tpu.memory_space<vmem_shared>>) target_semaphore(%run_scoped3A : memref<!tpu.dma_semaphore, #tpu.memory_space<semaphore_mem>>)
        %dma_wait3A = arith.constant 312 : i32
        %dma_wait3A_32 = arith.constant 0 : i32
        %dma_wait3A_33 = tpu.memref_slice %arg13[%dma_wait3A, %dma_wait3A_32] : memref<328x16xf32, #tpu.memory_space<vmem>> -> memref<16x16xf32, #tpu.memory_space<vmem>>
        %dma_wait3A_34 = arith.constant 4992 : i32
        %dma_wait3A_35 = arith.constant 0 : i32
        %dma_wait3A_36 = tpu.memref_slice %arg15[%dma_wait3A_34, %dma_wait3A_35] : memref<5008x16xf32, #tpu.memory_space<vmem_shared>> -> memref<16x16xf32, #tpu.memory_space<vmem_shared>>
        %dma_wait3A_37 = arith.constant 4992 : i32
        %dma_wait3A_38 = arith.constant 0 : i32
        %dma_wait3A_39 = tpu.memref_slice %arg15[%dma_wait3A_37, %dma_wait3A_38] : memref<5008x16xf32, #tpu.memory_space<vmem_shared>> -> memref<16x16xf32, #tpu.memory_space<vmem_shared>>
        %dma_wait3A_40 = arith.constant 312 : i32
        %dma_wait3A_41 = arith.constant 0 : i32
        %dma_wait3A_42 = tpu.memref_slice %arg13[%dma_wait3A_40, %dma_wait3A_41] : memref<328x16xf32, #tpu.memory_space<vmem>> -> memref<16x16xf32, #tpu.memory_space<vmem>>
        tpu.wait_dma2 semaphore(%run_scoped3A : memref<!tpu.dma_semaphore, #tpu.memory_space<semaphore_mem>>) src(%dma_wait3A_42 : memref<16x16xf32, #tpu.memory_space<vmem>>) dst(%dma_wait3A_39 : memref<16x16xf32, #tpu.memory_space<vmem_shared>>)
        tpu.yield
      }) : () -> ()
    } else {
    }
    "tpu.region"() ({
      %run_scoped3A = tpu.sem_alloc : memref<!tpu.dma_semaphore, #tpu.memory_space<semaphore_mem>>
      tpu.enqueue_dma source(%arg6 : memref<80x16xf32, #tpu.memory_space<hbm>>) target(%arg11 : memref<80x16xf32, #tpu.memory_space<vmem>>) target_semaphore(%run_scoped3A : memref<!tpu.dma_semaphore, #tpu.memory_space<semaphore_mem>>)
      tpu.wait_dma2 semaphore(%run_scoped3A : memref<!tpu.dma_semaphore, #tpu.memory_space<semaphore_mem>>) src(%arg6 : memref<80x16xf32, #tpu.memory_space<hbm>>) dst(%arg11 : memref<80x16xf32, #tpu.memory_space<vmem>>)
      tpu.yield
    }) : () -> ()
    %barrier3A = arith.constant 0 : index
    tpu.barrier barrier_id(%barrier3A)
    %scan3A = arith.constant 0 : i32
    %scan3A_7 = arith.constant 250 : i32
    %scan3A_8 = arith.addi %scan3A, %scan3A_7 : i32
    %scan3A_9 = arith.constant 1 : i32
    scf.for %scan3A_21 = %scan3A to %scan3A_8 step %scan3A_9  : i32 {
      %mul3A_22 = arith.constant 1 : i32
      %mul3A_23 = arith.muli %scan3A_21, %mul3A_22 : i32
      %add3A = arith.constant 0 : i32
      %add3A_24 = arith.addi %add3A, %mul3A_23 : i32
      %mul3A_25 = arith.constant 80 : i32
      %mul3A_26 = arith.muli %add3A_24, %mul3A_25 : i32
      %add3A_27 = arith.addi %multiple_of3A, %mul3A_26 : i32
      %multiple_of3A_28 = tpu.assume_multiple %add3A_27, 8 : i32
      "tpu.region"() ({
        %run_scoped3A = tpu.sem_alloc : memref<!tpu.dma_semaphore, #tpu.memory_space<semaphore_mem>>
        %dma_start3A = tpu.memref_slice %arg3[%multiple_of3A_28] : memref<320000xi32, #tpu.memory_space<hbm>> -> memref<80xi32, #tpu.memory_space<hbm>>
        %dma_start3A_34 = tpu.memref_slice %arg3[%multiple_of3A_28] : memref<320000xi32, #tpu.memory_space<hbm>> -> memref<80xi32, #tpu.memory_space<hbm>>
        tpu.enqueue_dma source(%dma_start3A_34 : memref<80xi32, #tpu.memory_space<hbm>>) target(%arg9 : memref<80xi32, #tpu.memory_space<vmem>>) target_semaphore(%run_scoped3A : memref<!tpu.dma_semaphore, #tpu.memory_space<semaphore_mem>>)
        %dma_wait3A = tpu.memref_slice %arg3[%multiple_of3A_28] : memref<320000xi32, #tpu.memory_space<hbm>> -> memref<80xi32, #tpu.memory_space<hbm>>
        %dma_wait3A_35 = tpu.memref_slice %arg3[%multiple_of3A_28] : memref<320000xi32, #tpu.memory_space<hbm>> -> memref<80xi32, #tpu.memory_space<hbm>>
        tpu.wait_dma2 semaphore(%run_scoped3A : memref<!tpu.dma_semaphore, #tpu.memory_space<semaphore_mem>>) src(%dma_wait3A_35 : memref<80xi32, #tpu.memory_space<hbm>>) dst(%arg9 : memref<80xi32, #tpu.memory_space<vmem>>)
        tpu.yield
      }) : () -> ()
      "tpu.region"() ({
        %run_scoped3A = tpu.sem_alloc : memref<!tpu.dma_semaphore, #tpu.memory_space<semaphore_mem>>
        %dma_start3A = arith.constant 0 : i32
        %dma_start3A_34 = tpu.memref_slice %arg2[%multiple_of3A_28, %dma_start3A] : memref<320000x128xf32, #tpu.memory_space<hbm>> -> memref<80x128xf32, #tpu.memory_space<hbm>>
        %dma_start3A_35 = arith.constant 0 : i32
        %dma_start3A_36 = tpu.memref_slice %arg2[%multiple_of3A_28, %dma_start3A_35] : memref<320000x128xf32, #tpu.memory_space<hbm>> -> memref<80x128xf32, #tpu.memory_space<hbm>>
        tpu.enqueue_dma source(%dma_start3A_36 : memref<80x128xf32, #tpu.memory_space<hbm>>) target(%arg10 : memref<80x128xf32, #tpu.memory_space<vmem>>) target_semaphore(%run_scoped3A : memref<!tpu.dma_semaphore, #tpu.memory_space<semaphore_mem>>)
        %dma_wait3A = arith.constant 0 : i32
        %dma_wait3A_37 = tpu.memref_slice %arg2[%multiple_of3A_28, %dma_wait3A] : memref<320000x128xf32, #tpu.memory_space<hbm>> -> memref<80x128xf32, #tpu.memory_space<hbm>>
        %dma_wait3A_38 = arith.constant 0 : i32
        %dma_wait3A_39 = tpu.memref_slice %arg2[%multiple_of3A_28, %dma_wait3A_38] : memref<320000x128xf32, #tpu.memory_space<hbm>> -> memref<80x128xf32, #tpu.memory_space<hbm>>
        tpu.wait_dma2 semaphore(%run_scoped3A : memref<!tpu.dma_semaphore, #tpu.memory_space<semaphore_mem>>) src(%dma_wait3A_39 : memref<80x128xf32, #tpu.memory_space<hbm>>) dst(%arg10 : memref<80x128xf32, #tpu.memory_space<vmem>>)
        tpu.yield
      }) : () -> ()
      %scan3A_29 = arith.constant 0 : i32
      %scan3A_30 = arith.constant 5 : i32
      %scan3A_31 = arith.addi %scan3A_29, %scan3A_30 : i32
      %scan3A_32 = arith.constant 1 : i32
      scf.for %scan3A_34 = %scan3A_29 to %scan3A_31 step %scan3A_32  : i32 {
        %mul3A_35 = arith.constant 1 : i32
        %mul3A_36 = arith.muli %scan3A_34, %mul3A_35 : i32
        %add3A_37 = arith.constant 0 : i32
        %add3A_38 = arith.addi %add3A_37, %mul3A_36 : i32
        %mul3A_39 = arith.constant 16 : i32
        %mul3A_40 = arith.muli %add3A_38, %mul3A_39 : i32
        %get3A = arith.index_cast %mul3A_40 : i32 to index
        %get3A_41 = tpu.vector_load %arg9[%get3A] {strides = array<i32>} : memref<80xi32, #tpu.memory_space<vmem>>, vector<16xi32>,
        %get3A_42 = vector.shape_cast %get3A_41 : vector<16xi32> to vector<16xi32>
        %sub3A = vector.broadcast %mul3A_4 : i32 to vector<16xi32>
        %sub3A_43 = arith.subi %get3A_42, %sub3A : vector<16xi32>
        %ge3A = arith.constant 0 : i32
        %ge3A_44 = vector.broadcast %ge3A : i32 to vector<16xi32>
        %ge3A_45 = arith.cmpi sge, %sub3A_43, %ge3A_44 : vector<16xi32>
        %lt3A = arith.constant 5000 : i32
        %lt3A_46 = vector.broadcast %lt3A : i32 to vector<16xi32>
        %lt3A_47 = arith.cmpi slt, %sub3A_43, %lt3A_46 : vector<16xi32>
        %and3A = arith.andi %ge3A_45, %lt3A_47 : vector<16xi1>
        %jit3A = arith.constant 5000 : i32
        %broadcast_in_dim3A = vector.broadcast %jit3A : i32 to vector<16xi32>
        %select_n3A = arith.select %and3A, %sub3A_43, %broadcast_in_dim3A : vector<16xi1>, vector<16xi32>
        %mul3A_48 = arith.constant 16 : i32
        %mul3A_49 = arith.muli %add3A_38, %mul3A_48 : i32
        %swap3A = arith.index_cast %mul3A_49 : i32 to index
        %swap3A_50 = tpu.vector_load %arg9[%swap3A] {strides = array<i32>} : memref<80xi32, #tpu.memory_space<vmem>>, vector<16xi32>,
        %swap3A_51 = vector.shape_cast %swap3A_50 : vector<16xi32> to vector<16xi32>
        %swap3A_52 = vector.shape_cast %select_n3A : vector<16xi32> to vector<16xi32>
        tpu.vector_store %arg9[%swap3A], %swap3A_52 {strides = array<i32>} : memref<80xi32, #tpu.memory_space<vmem>>, vector<16xi32>,
      }
      %scan3A_33 = arith.constant 5 : i32
      "tpu.region"() ({
        %run_scoped3A = tpu.sem_alloc : memref<!tpu.dma_semaphore, #tpu.memory_space<semaphore_mem>>
        %dma_start3A = arith.constant 0 : i32
        %dma_start3A_34 = arith.constant 0 : i32
        %dma_start3A_35 = tpu.memref_slice %arg14[%dma_start3A, %dma_start3A_34] : memref<5008x128xf32, #tpu.memory_space<vmem_shared>> -> memref<5008x128xf32, #tpu.memory_space<vmem_shared>>
        tpu.enqueue_indirect_dma source(%arg10 : memref<80x128xf32, #tpu.memory_space<vmem>>) target(%dma_start3A_35 : memref<5008x128xf32, #tpu.memory_space<vmem_shared>>) offsets(%arg9 : memref<80xi32, #tpu.memory_space<vmem>>) semaphore(%run_scoped3A : memref<!tpu.dma_semaphore, #tpu.memory_space<semaphore_mem>>) {add = true}
        %dma_wait3A = arith.constant 0 : i32
        %dma_wait3A_36 = arith.constant 0 : i32
        %dma_wait3A_37 = tpu.memref_slice %arg14[%dma_wait3A, %dma_wait3A_36] : memref<5008x128xf32, #tpu.memory_space<vmem_shared>> -> memref<5008x128xf32, #tpu.memory_space<vmem_shared>>
        tpu.wait_indirect_dma semaphore(%run_scoped3A : memref<!tpu.dma_semaphore, #tpu.memory_space<semaphore_mem>>) src(%arg10 : memref<80x128xf32, #tpu.memory_space<vmem>>) dst(%dma_wait3A_37 : memref<5008x128xf32, #tpu.memory_space<vmem_shared>>)
        tpu.yield
      }) : () -> ()
      "tpu.region"() ({
        %run_scoped3A = tpu.sem_alloc : memref<!tpu.dma_semaphore, #tpu.memory_space<semaphore_mem>>
        %dma_start3A = arith.constant 0 : i32
        %dma_start3A_34 = arith.constant 0 : i32
        %dma_start3A_35 = tpu.memref_slice %arg15[%dma_start3A, %dma_start3A_34] : memref<5008x16xf32, #tpu.memory_space<vmem_shared>> -> memref<5008x16xf32, #tpu.memory_space<vmem_shared>>
        tpu.enqueue_indirect_dma source(%arg11 : memref<80x16xf32, #tpu.memory_space<vmem>>) target(%dma_start3A_35 : memref<5008x16xf32, #tpu.memory_space<vmem_shared>>) offsets(%arg9 : memref<80xi32, #tpu.memory_space<vmem>>) semaphore(%run_scoped3A : memref<!tpu.dma_semaphore, #tpu.memory_space<semaphore_mem>>) {add = true}
        %dma_wait3A = arith.constant 0 : i32
        %dma_wait3A_36 = arith.constant 0 : i32
        %dma_wait3A_37 = tpu.memref_slice %arg15[%dma_wait3A, %dma_wait3A_36] : memref<5008x16xf32, #tpu.memory_space<vmem_shared>> -> memref<5008x16xf32, #tpu.memory_space<vmem_shared>>
        tpu.wait_indirect_dma semaphore(%run_scoped3A : memref<!tpu.dma_semaphore, #tpu.memory_space<semaphore_mem>>) src(%arg11 : memref<80x16xf32, #tpu.memory_space<vmem>>) dst(%dma_wait3A_37 : memref<5008x16xf32, #tpu.memory_space<vmem_shared>>)
        tpu.yield
      }) : () -> ()
    }
    %scan3A_10 = arith.constant 250 : i32
    %barrier3A_11 = arith.constant 0 : index
    tpu.barrier barrier_id(%barrier3A_11)
    "tpu.region"() ({
      %run_scoped3A = tpu.sem_alloc : memref<!tpu.dma_semaphore, #tpu.memory_space<semaphore_mem>>
      %dma_start3A = arith.constant 0 : i32
      %dma_start3A_21 = arith.constant 0 : i32
      %dma_start3A_22 = tpu.memref_slice %arg12[%dma_start3A, %dma_start3A_21] : memref<328x128xf32, #tpu.memory_space<vmem>> -> memref<312x128xf32, #tpu.memory_space<vmem>>
      %dma_start3A_23 = arith.constant 0 : i32
      %dma_start3A_24 = tpu.memref_slice %arg14[%mul3A_2, %dma_start3A_23] : memref<5008x128xf32, #tpu.memory_space<vmem_shared>> -> memref<312x128xf32, #tpu.memory_space<vmem_shared>>
      %dma_start3A_25 = arith.constant 0 : i32
      %dma_start3A_26 = arith.constant 0 : i32
      %dma_start3A_27 = tpu.memref_slice %arg12[%dma_start3A_25, %dma_start3A_26] : memref<328x128xf32, #tpu.memory_space<vmem>> -> memref<312x128xf32, #tpu.memory_space<vmem>>
      %dma_start3A_28 = arith.constant 0 : i32
      %dma_start3A_29 = tpu.memref_slice %arg14[%mul3A_2, %dma_start3A_28] : memref<5008x128xf32, #tpu.memory_space<vmem_shared>> -> memref<312x128xf32, #tpu.memory_space<vmem_shared>>
      tpu.enqueue_dma source(%dma_start3A_29 : memref<312x128xf32, #tpu.memory_space<vmem_shared>>) target(%dma_start3A_27 : memref<312x128xf32, #tpu.memory_space<vmem>>) target_semaphore(%run_scoped3A : memref<!tpu.dma_semaphore, #tpu.memory_space<semaphore_mem>>)
      %dma_wait3A = arith.constant 0 : i32
      %dma_wait3A_30 = arith.constant 0 : i32
      %dma_wait3A_31 = tpu.memref_slice %arg12[%dma_wait3A, %dma_wait3A_30] : memref<328x128xf32, #tpu.memory_space<vmem>> -> memref<312x128xf32, #tpu.memory_space<vmem>>
      %dma_wait3A_32 = arith.constant 0 : i32
      %dma_wait3A_33 = tpu.memref_slice %arg14[%mul3A_2, %dma_wait3A_32] : memref<5008x128xf32, #tpu.memory_space<vmem_shared>> -> memref<312x128xf32, #tpu.memory_space<vmem_shared>>
      %dma_wait3A_34 = arith.constant 0 : i32
      %dma_wait3A_35 = arith.constant 0 : i32
      %dma_wait3A_36 = tpu.memref_slice %arg12[%dma_wait3A_34, %dma_wait3A_35] : memref<328x128xf32, #tpu.memory_space<vmem>> -> memref<312x128xf32, #tpu.memory_space<vmem>>
      %dma_wait3A_37 = arith.constant 0 : i32
      %dma_wait3A_38 = tpu.memref_slice %arg14[%mul3A_2, %dma_wait3A_37] : memref<5008x128xf32, #tpu.memory_space<vmem_shared>> -> memref<312x128xf32, #tpu.memory_space<vmem_shared>>
      tpu.wait_dma2 semaphore(%run_scoped3A : memref<!tpu.dma_semaphore, #tpu.memory_space<semaphore_mem>>) src(%dma_wait3A_38 : memref<312x128xf32, #tpu.memory_space<vmem_shared>>) dst(%dma_wait3A_36 : memref<312x128xf32, #tpu.memory_space<vmem>>)
      tpu.yield
    }) : () -> ()
    "tpu.region"() ({
      %run_scoped3A = tpu.sem_alloc : memref<!tpu.dma_semaphore, #tpu.memory_space<semaphore_mem>>
      %dma_start3A = arith.constant 0 : i32
      %dma_start3A_21 = arith.constant 0 : i32
      %dma_start3A_22 = tpu.memref_slice %arg13[%dma_start3A, %dma_start3A_21] : memref<328x16xf32, #tpu.memory_space<vmem>> -> memref<312x16xf32, #tpu.memory_space<vmem>>
      %dma_start3A_23 = arith.constant 0 : i32
      %dma_start3A_24 = tpu.memref_slice %arg15[%mul3A_2, %dma_start3A_23] : memref<5008x16xf32, #tpu.memory_space<vmem_shared>> -> memref<312x16xf32, #tpu.memory_space<vmem_shared>>
      %dma_start3A_25 = arith.constant 0 : i32
      %dma_start3A_26 = arith.constant 0 : i32
      %dma_start3A_27 = tpu.memref_slice %arg13[%dma_start3A_25, %dma_start3A_26] : memref<328x16xf32, #tpu.memory_space<vmem>> -> memref<312x16xf32, #tpu.memory_space<vmem>>
      %dma_start3A_28 = arith.constant 0 : i32
      %dma_start3A_29 = tpu.memref_slice %arg15[%mul3A_2, %dma_start3A_28] : memref<5008x16xf32, #tpu.memory_space<vmem_shared>> -> memref<312x16xf32, #tpu.memory_space<vmem_shared>>
      tpu.enqueue_dma source(%dma_start3A_29 : memref<312x16xf32, #tpu.memory_space<vmem_shared>>) target(%dma_start3A_27 : memref<312x16xf32, #tpu.memory_space<vmem>>) target_semaphore(%run_scoped3A : memref<!tpu.dma_semaphore, #tpu.memory_space<semaphore_mem>>)
      %dma_wait3A = arith.constant 0 : i32
      %dma_wait3A_30 = arith.constant 0 : i32
      %dma_wait3A_31 = tpu.memref_slice %arg13[%dma_wait3A, %dma_wait3A_30] : memref<328x16xf32, #tpu.memory_space<vmem>> -> memref<312x16xf32, #tpu.memory_space<vmem>>
      %dma_wait3A_32 = arith.constant 0 : i32
      %dma_wait3A_33 = tpu.memref_slice %arg15[%mul3A_2, %dma_wait3A_32] : memref<5008x16xf32, #tpu.memory_space<vmem_shared>> -> memref<312x16xf32, #tpu.memory_space<vmem_shared>>
      %dma_wait3A_34 = arith.constant 0 : i32
      %dma_wait3A_35 = arith.constant 0 : i32
      %dma_wait3A_36 = tpu.memref_slice %arg13[%dma_wait3A_34, %dma_wait3A_35] : memref<328x16xf32, #tpu.memory_space<vmem>> -> memref<312x16xf32, #tpu.memory_space<vmem>>
      %dma_wait3A_37 = arith.constant 0 : i32
      %dma_wait3A_38 = tpu.memref_slice %arg15[%mul3A_2, %dma_wait3A_37] : memref<5008x16xf32, #tpu.memory_space<vmem_shared>> -> memref<312x16xf32, #tpu.memory_space<vmem_shared>>
      tpu.wait_dma2 semaphore(%run_scoped3A : memref<!tpu.dma_semaphore, #tpu.memory_space<semaphore_mem>>) src(%dma_wait3A_38 : memref<312x16xf32, #tpu.memory_space<vmem_shared>>) dst(%dma_wait3A_36 : memref<312x16xf32, #tpu.memory_space<vmem>>)
      tpu.yield
    }) : () -> ()
    %eq3A_12 = arith.constant 15 : i32
    %eq3A_13 = arith.cmpi eq, %arg1, %eq3A_12 : i32
    %convert_element_type3A_14 = arith.extui %eq3A_13 : i1 to i32
    %cond3A_15 = arith.constant 0 : i32
    %cond3A_16 = arith.cmpi ne, %convert_element_type3A_14, %cond3A_15 : i32
    scf.if %cond3A_16 {
      "tpu.region"() ({
        %run_scoped3A = tpu.sem_alloc : memref<!tpu.dma_semaphore, #tpu.memory_space<semaphore_mem>>
        %dma_start3A = arith.constant 312 : i32
        %dma_start3A_22 = arith.constant 0 : i32
        %dma_start3A_23 = tpu.memref_slice %arg12[%dma_start3A, %dma_start3A_22] : memref<328x128xf32, #tpu.memory_space<vmem>> -> memref<8x128xf32, #tpu.memory_space<vmem>>
        %dma_start3A_24 = arith.constant 4992 : i32
        %dma_start3A_25 = arith.constant 0 : i32
        %dma_start3A_26 = tpu.memref_slice %arg14[%dma_start3A_24, %dma_start3A_25] : memref<5008x128xf32, #tpu.memory_space<vmem_shared>> -> memref<8x128xf32, #tpu.memory_space<vmem_shared>>
        %dma_start3A_27 = arith.constant 312 : i32
        %dma_start3A_28 = arith.constant 0 : i32
        %dma_start3A_29 = tpu.memref_slice %arg12[%dma_start3A_27, %dma_start3A_28] : memref<328x128xf32, #tpu.memory_space<vmem>> -> memref<8x128xf32, #tpu.memory_space<vmem>>
        %dma_start3A_30 = arith.constant 4992 : i32
        %dma_start3A_31 = arith.constant 0 : i32
        %dma_start3A_32 = tpu.memref_slice %arg14[%dma_start3A_30, %dma_start3A_31] : memref<5008x128xf32, #tpu.memory_space<vmem_shared>> -> memref<8x128xf32, #tpu.memory_space<vmem_shared>>
        tpu.enqueue_dma source(%dma_start3A_32 : memref<8x128xf32, #tpu.memory_space<vmem_shared>>) target(%dma_start3A_29 : memref<8x128xf32, #tpu.memory_space<vmem>>) target_semaphore(%run_scoped3A : memref<!tpu.dma_semaphore, #tpu.memory_space<semaphore_mem>>)
        %dma_wait3A = arith.constant 312 : i32
        %dma_wait3A_33 = arith.constant 0 : i32
        %dma_wait3A_34 = tpu.memref_slice %arg12[%dma_wait3A, %dma_wait3A_33] : memref<328x128xf32, #tpu.memory_space<vmem>> -> memref<8x128xf32, #tpu.memory_space<vmem>>
        %dma_wait3A_35 = arith.constant 4992 : i32
        %dma_wait3A_36 = arith.constant 0 : i32
        %dma_wait3A_37 = tpu.memref_slice %arg14[%dma_wait3A_35, %dma_wait3A_36] : memref<5008x128xf32, #tpu.memory_space<vmem_shared>> -> memref<8x128xf32, #tpu.memory_space<vmem_shared>>
        %dma_wait3A_38 = arith.constant 312 : i32
        %dma_wait3A_39 = arith.constant 0 : i32
        %dma_wait3A_40 = tpu.memref_slice %arg12[%dma_wait3A_38, %dma_wait3A_39] : memref<328x128xf32, #tpu.memory_space<vmem>> -> memref<8x128xf32, #tpu.memory_space<vmem>>
        %dma_wait3A_41 = arith.constant 4992 : i32
        %dma_wait3A_42 = arith.constant 0 : i32
        %dma_wait3A_43 = tpu.memref_slice %arg14[%dma_wait3A_41, %dma_wait3A_42] : memref<5008x128xf32, #tpu.memory_space<vmem_shared>> -> memref<8x128xf32, #tpu.memory_space<vmem_shared>>
        tpu.wait_dma2 semaphore(%run_scoped3A : memref<!tpu.dma_semaphore, #tpu.memory_space<semaphore_mem>>) src(%dma_wait3A_43 : memref<8x128xf32, #tpu.memory_space<vmem_shared>>) dst(%dma_wait3A_40 : memref<8x128xf32, #tpu.memory_space<vmem>>)
        tpu.yield
      }) : () -> ()
      "tpu.region"() ({
        %run_scoped3A = tpu.sem_alloc : memref<!tpu.dma_semaphore, #tpu.memory_space<semaphore_mem>>
        %dma_start3A = arith.constant 312 : i32
        %dma_start3A_22 = arith.constant 0 : i32
        %dma_start3A_23 = tpu.memref_slice %arg13[%dma_start3A, %dma_start3A_22] : memref<328x16xf32, #tpu.memory_space<vmem>> -> memref<8x16xf32, #tpu.memory_space<vmem>>
        %dma_start3A_24 = arith.constant 4992 : i32
        %dma_start3A_25 = arith.constant 0 : i32
        %dma_start3A_26 = tpu.memref_slice %arg15[%dma_start3A_24, %dma_start3A_25] : memref<5008x16xf32, #tpu.memory_space<vmem_shared>> -> memref<8x16xf32, #tpu.memory_space<vmem_shared>>
        %dma_start3A_27 = arith.constant 312 : i32
        %dma_start3A_28 = arith.constant 0 : i32
        %dma_start3A_29 = tpu.memref_slice %arg13[%dma_start3A_27, %dma_start3A_28] : memref<328x16xf32, #tpu.memory_space<vmem>> -> memref<8x16xf32, #tpu.memory_space<vmem>>
        %dma_start3A_30 = arith.constant 4992 : i32
        %dma_start3A_31 = arith.constant 0 : i32
        %dma_start3A_32 = tpu.memref_slice %arg15[%dma_start3A_30, %dma_start3A_31] : memref<5008x16xf32, #tpu.memory_space<vmem_shared>> -> memref<8x16xf32, #tpu.memory_space<vmem_shared>>
        tpu.enqueue_dma source(%dma_start3A_32 : memref<8x16xf32, #tpu.memory_space<vmem_shared>>) target(%dma_start3A_29 : memref<8x16xf32, #tpu.memory_space<vmem>>) target_semaphore(%run_scoped3A : memref<!tpu.dma_semaphore, #tpu.memory_space<semaphore_mem>>)
        %dma_wait3A = arith.constant 312 : i32
        %dma_wait3A_33 = arith.constant 0 : i32
        %dma_wait3A_34 = tpu.memref_slice %arg13[%dma_wait3A, %dma_wait3A_33] : memref<328x16xf32, #tpu.memory_space<vmem>> -> memref<8x16xf32, #tpu.memory_space<vmem>>
        %dma_wait3A_35 = arith.constant 4992 : i32
        %dma_wait3A_36 = arith.constant 0 : i32
        %dma_wait3A_37 = tpu.memref_slice %arg15[%dma_wait3A_35, %dma_wait3A_36] : memref<5008x16xf32, #tpu.memory_space<vmem_shared>> -> memref<8x16xf32, #tpu.memory_space<vmem_shared>>
        %dma_wait3A_38 = arith.constant 312 : i32
        %dma_wait3A_39 = arith.constant 0 : i32
        %dma_wait3A_40 = tpu.memref_slice %arg13[%dma_wait3A_38, %dma_wait3A_39] : memref<328x16xf32, #tpu.memory_space<vmem>> -> memref<8x16xf32, #tpu.memory_space<vmem>>
        %dma_wait3A_41 = arith.constant 4992 : i32
        %dma_wait3A_42 = arith.constant 0 : i32
        %dma_wait3A_43 = tpu.memref_slice %arg15[%dma_wait3A_41, %dma_wait3A_42] : memref<5008x16xf32, #tpu.memory_space<vmem_shared>> -> memref<8x16xf32, #tpu.memory_space<vmem_shared>>
        tpu.wait_dma2 semaphore(%run_scoped3A : memref<!tpu.dma_semaphore, #tpu.memory_space<semaphore_mem>>) src(%dma_wait3A_43 : memref<8x16xf32, #tpu.memory_space<vmem_shared>>) dst(%dma_wait3A_40 : memref<8x16xf32, #tpu.memory_space<vmem>>)
        tpu.yield
      }) : () -> ()
      %add3A = arith.addi %mul3A_4, %mul3A_2 : i32
      "tpu.region"() ({
        %run_scoped3A = tpu.sem_alloc : memref<!tpu.dma_semaphore, #tpu.memory_space<semaphore_mem>>
        %dma_start3A = arith.constant 0 : i32
        %dma_start3A_22 = arith.constant 0 : i32
        %dma_start3A_23 = tpu.memref_slice %arg12[%dma_start3A, %dma_start3A_22] : memref<328x128xf32, #tpu.memory_space<vmem>> -> memref<320x128xf32, #tpu.memory_space<vmem>>
        %dma_start3A_24 = arith.constant 0 : i32
        %dma_start3A_25 = tpu.memref_slice %arg7[%add3A, %dma_start3A_24] : memref<10000x128xf32, #tpu.memory_space<hbm>> -> memref<320x128xf32, #tpu.memory_space<hbm>>
        %dma_start3A_26 = arith.constant 0 : i32
        %dma_start3A_27 = tpu.memref_slice %arg7[%add3A, %dma_start3A_26] : memref<10000x128xf32, #tpu.memory_space<hbm>> -> memref<320x128xf32, #tpu.memory_space<hbm>>
        %dma_start3A_28 = arith.constant 0 : i32
        %dma_start3A_29 = arith.constant 0 : i32
        %dma_start3A_30 = tpu.memref_slice %arg12[%dma_start3A_28, %dma_start3A_29] : memref<328x128xf32, #tpu.memory_space<vmem>> -> memref<320x128xf32, #tpu.memory_space<vmem>>
        tpu.enqueue_dma source(%dma_start3A_30 : memref<320x128xf32, #tpu.memory_space<vmem>>) target(%dma_start3A_27 : memref<320x128xf32, #tpu.memory_space<hbm>>) target_semaphore(%run_scoped3A : memref<!tpu.dma_semaphore, #tpu.memory_space<semaphore_mem>>)
        %dma_wait3A = arith.constant 0 : i32
        %dma_wait3A_31 = arith.constant 0 : i32
        %dma_wait3A_32 = tpu.memref_slice %arg12[%dma_wait3A, %dma_wait3A_31] : memref<328x128xf32, #tpu.memory_space<vmem>> -> memref<320x128xf32, #tpu.memory_space<vmem>>
        %dma_wait3A_33 = arith.constant 0 : i32
        %dma_wait3A_34 = tpu.memref_slice %arg7[%add3A, %dma_wait3A_33] : memref<10000x128xf32, #tpu.memory_space<hbm>> -> memref<320x128xf32, #tpu.memory_space<hbm>>
        %dma_wait3A_35 = arith.constant 0 : i32
        %dma_wait3A_36 = tpu.memref_slice %arg7[%add3A, %dma_wait3A_35] : memref<10000x128xf32, #tpu.memory_space<hbm>> -> memref<320x128xf32, #tpu.memory_space<hbm>>
        %dma_wait3A_37 = arith.constant 0 : i32
        %dma_wait3A_38 = arith.constant 0 : i32
        %dma_wait3A_39 = tpu.memref_slice %arg12[%dma_wait3A_37, %dma_wait3A_38] : memref<328x128xf32, #tpu.memory_space<vmem>> -> memref<320x128xf32, #tpu.memory_space<vmem>>
        tpu.wait_dma2 semaphore(%run_scoped3A : memref<!tpu.dma_semaphore, #tpu.memory_space<semaphore_mem>>) src(%dma_wait3A_39 : memref<320x128xf32, #tpu.memory_space<vmem>>) dst(%dma_wait3A_36 : memref<320x128xf32, #tpu.memory_space<hbm>>)
        tpu.yield
      }) : () -> ()
      %add3A_21 = arith.addi %mul3A_4, %mul3A_2 : i32
      "tpu.region"() ({
        %run_scoped3A = tpu.sem_alloc : memref<!tpu.dma_semaphore, #tpu.memory_space<semaphore_mem>>
        %dma_start3A = arith.constant 0 : i32
        %dma_start3A_22 = arith.constant 0 : i32
        %dma_start3A_23 = tpu.memref_slice %arg13[%dma_start3A, %dma_start3A_22] : memref<328x16xf32, #tpu.memory_space<vmem>> -> memref<320x16xf32, #tpu.memory_space<vmem>>
        %dma_start3A_24 = arith.constant 0 : i32
        %dma_start3A_25 = tpu.memref_slice %arg8[%add3A_21, %dma_start3A_24] : memref<10000x16xf32, #tpu.memory_space<hbm>> -> memref<320x16xf32, #tpu.memory_space<hbm>>
        %dma_start3A_26 = arith.constant 0 : i32
        %dma_start3A_27 = tpu.memref_slice %arg8[%add3A_21, %dma_start3A_26] : memref<10000x16xf32, #tpu.memory_space<hbm>> -> memref<320x16xf32, #tpu.memory_space<hbm>>
        %dma_start3A_28 = arith.constant 0 : i32
        %dma_start3A_29 = arith.constant 0 : i32
        %dma_start3A_30 = tpu.memref_slice %arg13[%dma_start3A_28, %dma_start3A_29] : memref<328x16xf32, #tpu.memory_space<vmem>> -> memref<320x16xf32, #tpu.memory_space<vmem>>
        tpu.enqueue_dma source(%dma_start3A_30 : memref<320x16xf32, #tpu.memory_space<vmem>>) target(%dma_start3A_27 : memref<320x16xf32, #tpu.memory_space<hbm>>) target_semaphore(%run_scoped3A : memref<!tpu.dma_semaphore, #tpu.memory_space<semaphore_mem>>)
        %dma_wait3A = arith.constant 0 : i32
        %dma_wait3A_31 = arith.constant 0 : i32
        %dma_wait3A_32 = tpu.memref_slice %arg13[%dma_wait3A, %dma_wait3A_31] : memref<328x16xf32, #tpu.memory_space<vmem>> -> memref<320x16xf32, #tpu.memory_space<vmem>>
        %dma_wait3A_33 = arith.constant 0 : i32
        %dma_wait3A_34 = tpu.memref_slice %arg8[%add3A_21, %dma_wait3A_33] : memref<10000x16xf32, #tpu.memory_space<hbm>> -> memref<320x16xf32, #tpu.memory_space<hbm>>
        %dma_wait3A_35 = arith.constant 0 : i32
        %dma_wait3A_36 = tpu.memref_slice %arg8[%add3A_21, %dma_wait3A_35] : memref<10000x16xf32, #tpu.memory_space<hbm>> -> memref<320x16xf32, #tpu.memory_space<hbm>>
        %dma_wait3A_37 = arith.constant 0 : i32
        %dma_wait3A_38 = arith.constant 0 : i32
        %dma_wait3A_39 = tpu.memref_slice %arg13[%dma_wait3A_37, %dma_wait3A_38] : memref<328x16xf32, #tpu.memory_space<vmem>> -> memref<320x16xf32, #tpu.memory_space<vmem>>
        tpu.wait_dma2 semaphore(%run_scoped3A : memref<!tpu.dma_semaphore, #tpu.memory_space<semaphore_mem>>) src(%dma_wait3A_39 : memref<320x16xf32, #tpu.memory_space<vmem>>) dst(%dma_wait3A_36 : memref<320x16xf32, #tpu.memory_space<hbm>>)
        tpu.yield
      }) : () -> ()
    } else {
    }
    %ne3A = arith.constant 15 : i32
    %ne3A_17 = arith.cmpi ne, %arg1, %ne3A : i32
    %convert_element_type3A_18 = arith.extui %ne3A_17 : i1 to i32
    %cond3A_19 = arith.constant 0 : i32
    %cond3A_20 = arith.cmpi ne, %convert_element_type3A_18, %cond3A_19 : i32
    scf.if %cond3A_20 {
      %add3A = arith.addi %mul3A_4, %mul3A_2 : i32
      "tpu.region"() ({
        %run_scoped3A = tpu.sem_alloc : memref<!tpu.dma_semaphore, #tpu.memory_space<semaphore_mem>>
        %dma_start3A = arith.constant 0 : i32
        %dma_start3A_22 = arith.constant 0 : i32
        %dma_start3A_23 = tpu.memref_slice %arg12[%dma_start3A, %dma_start3A_22] : memref<328x128xf32, #tpu.memory_space<vmem>> -> memref<312x128xf32, #tpu.memory_space<vmem>>
        %dma_start3A_24 = arith.constant 0 : i32
        %dma_start3A_25 = tpu.memref_slice %arg7[%add3A, %dma_start3A_24] : memref<10000x128xf32, #tpu.memory_space<hbm>> -> memref<312x128xf32, #tpu.memory_space<hbm>>
        %dma_start3A_26 = arith.constant 0 : i32
        %dma_start3A_27 = tpu.memref_slice %arg7[%add3A, %dma_start3A_26] : memref<10000x128xf32, #tpu.memory_space<hbm>> -> memref<312x128xf32, #tpu.memory_space<hbm>>
        %dma_start3A_28 = arith.constant 0 : i32
        %dma_start3A_29 = arith.constant 0 : i32
        %dma_start3A_30 = tpu.memref_slice %arg12[%dma_start3A_28, %dma_start3A_29] : memref<328x128xf32, #tpu.memory_space<vmem>> -> memref<312x128xf32, #tpu.memory_space<vmem>>
        tpu.enqueue_dma source(%dma_start3A_30 : memref<312x128xf32, #tpu.memory_space<vmem>>) target(%dma_start3A_27 : memref<312x128xf32, #tpu.memory_space<hbm>>) target_semaphore(%run_scoped3A : memref<!tpu.dma_semaphore, #tpu.memory_space<semaphore_mem>>)
        %dma_wait3A = arith.constant 0 : i32
        %dma_wait3A_31 = arith.constant 0 : i32
        %dma_wait3A_32 = tpu.memref_slice %arg12[%dma_wait3A, %dma_wait3A_31] : memref<328x128xf32, #tpu.memory_space<vmem>> -> memref<312x128xf32, #tpu.memory_space<vmem>>
        %dma_wait3A_33 = arith.constant 0 : i32
        %dma_wait3A_34 = tpu.memref_slice %arg7[%add3A, %dma_wait3A_33] : memref<10000x128xf32, #tpu.memory_space<hbm>> -> memref<312x128xf32, #tpu.memory_space<hbm>>
        %dma_wait3A_35 = arith.constant 0 : i32
        %dma_wait3A_36 = tpu.memref_slice %arg7[%add3A, %dma_wait3A_35] : memref<10000x128xf32, #tpu.memory_space<hbm>> -> memref<312x128xf32, #tpu.memory_space<hbm>>
        %dma_wait3A_37 = arith.constant 0 : i32
        %dma_wait3A_38 = arith.constant 0 : i32
        %dma_wait3A_39 = tpu.memref_slice %arg12[%dma_wait3A_37, %dma_wait3A_38] : memref<328x128xf32, #tpu.memory_space<vmem>> -> memref<312x128xf32, #tpu.memory_space<vmem>>
        tpu.wait_dma2 semaphore(%run_scoped3A : memref<!tpu.dma_semaphore, #tpu.memory_space<semaphore_mem>>) src(%dma_wait3A_39 : memref<312x128xf32, #tpu.memory_space<vmem>>) dst(%dma_wait3A_36 : memref<312x128xf32, #tpu.memory_space<hbm>>)
        tpu.yield
      }) : () -> ()
      %add3A_21 = arith.addi %mul3A_4, %mul3A_2 : i32
      "tpu.region"() ({
        %run_scoped3A = tpu.sem_alloc : memref<!tpu.dma_semaphore, #tpu.memory_space<semaphore_mem>>
        %dma_start3A = arith.constant 0 : i32
        %dma_start3A_22 = arith.constant 0 : i32
        %dma_start3A_23 = tpu.memref_slice %arg13[%dma_start3A, %dma_start3A_22] : memref<328x16xf32, #tpu.memory_space<vmem>> -> memref<312x16xf32, #tpu.memory_space<vmem>>
        %dma_start3A_24 = arith.constant 0 : i32
        %dma_start3A_25 = tpu.memref_slice %arg8[%add3A_21, %dma_start3A_24] : memref<10000x16xf32, #tpu.memory_space<hbm>> -> memref<312x16xf32, #tpu.memory_space<hbm>>
        %dma_start3A_26 = arith.constant 0 : i32
        %dma_start3A_27 = tpu.memref_slice %arg8[%add3A_21, %dma_start3A_26] : memref<10000x16xf32, #tpu.memory_space<hbm>> -> memref<312x16xf32, #tpu.memory_space<hbm>>
        %dma_start3A_28 = arith.constant 0 : i32
        %dma_start3A_29 = arith.constant 0 : i32
        %dma_start3A_30 = tpu.memref_slice %arg13[%dma_start3A_28, %dma_start3A_29] : memref<328x16xf32, #tpu.memory_space<vmem>> -> memref<312x16xf32, #tpu.memory_space<vmem>>
        tpu.enqueue_dma source(%dma_start3A_30 : memref<312x16xf32, #tpu.memory_space<vmem>>) target(%dma_start3A_27 : memref<312x16xf32, #tpu.memory_space<hbm>>) target_semaphore(%run_scoped3A : memref<!tpu.dma_semaphore, #tpu.memory_space<semaphore_mem>>)
        %dma_wait3A = arith.constant 0 : i32
        %dma_wait3A_31 = arith.constant 0 : i32
        %dma_wait3A_32 = tpu.memref_slice %arg13[%dma_wait3A, %dma_wait3A_31] : memref<328x16xf32, #tpu.memory_space<vmem>> -> memref<312x16xf32, #tpu.memory_space<vmem>>
        %dma_wait3A_33 = arith.constant 0 : i32
        %dma_wait3A_34 = tpu.memref_slice %arg8[%add3A_21, %dma_wait3A_33] : memref<10000x16xf32, #tpu.memory_space<hbm>> -> memref<312x16xf32, #tpu.memory_space<hbm>>
        %dma_wait3A_35 = arith.constant 0 : i32
        %dma_wait3A_36 = tpu.memref_slice %arg8[%add3A_21, %dma_wait3A_35] : memref<10000x16xf32, #tpu.memory_space<hbm>> -> memref<312x16xf32, #tpu.memory_space<hbm>>
        %dma_wait3A_37 = arith.constant 0 : i32
        %dma_wait3A_38 = arith.constant 0 : i32
        %dma_wait3A_39 = tpu.memref_slice %arg13[%dma_wait3A_37, %dma_wait3A_38] : memref<328x16xf32, #tpu.memory_space<vmem>> -> memref<312x16xf32, #tpu.memory_space<vmem>>
        tpu.wait_dma2 semaphore(%run_scoped3A : memref<!tpu.dma_semaphore, #tpu.memory_space<semaphore_mem>>) src(%dma_wait3A_39 : memref<312x16xf32, #tpu.memory_space<vmem>>) dst(%dma_wait3A_36 : memref<312x16xf32, #tpu.memory_space<hbm>>)
        tpu.yield
      }) : () -> ()
    } else {
    }
    return
  }
}

#map = affine_map<(d0, d1) -> (0, 0)>
module attributes {stable_mosaic.version = 14 : i64} {
  func.func @gather_k(%arg0: i32, %arg1: i32, %arg2: memref<10000x128xf32, #tpu.memory_space<hbm>>, %arg3: memref<4000x80xi32, #tpu.memory_space<hbm>>, %arg4: memref<4000x80xi32, #tpu.memory_space<hbm>>, %arg5: memref<320000x128xf32, #tpu.memory_space<hbm>>, %arg6: memref<320000x128xf32, #tpu.memory_space<hbm>>, %arg7: memref<5x80xi32, #tpu.memory_space<vmem>>, %arg8: memref<400x128xf32, #tpu.memory_space<vmem>>, %arg9: memref<!tpu.dma_semaphore, #tpu.memory_space<semaphore_mem>>) attributes {dimension_semantics = [#tpu.dimension_semantics<core_parallel>, #tpu.dimension_semantics<subcore_parallel>], iteration_bounds = array<i64: 2, 16>, scalar_prefetch = 0 : i64, scratch_operands = 3 : i64, tpu.core_type = #tpu.core_type<sc_vector_subcore>, window_params = [{transform_indices = #map}, {transform_indices = #map}, {transform_indices = #map}, {transform_indices = #map}, {transform_indices = #map}]} {
    %mul3A = arith.constant 2 : i32
    %mul3A_0 = arith.muli %arg1, %mul3A : i32
    %add3A = arith.addi %mul3A_0, %arg0 : i32
    %mul3A_1 = arith.constant 10000 : i32
    %mul3A_2 = arith.muli %add3A, %mul3A_1 : i32
    %multiple_of3A = tpu.assume_multiple %mul3A_2, 8 : i32
    %mul3A_3 = arith.constant 125 : i32
    %mul3A_4 = arith.muli %add3A, %mul3A_3 : i32
    %scan3A = arith.constant 0 : i32
    %scan3A_5 = arith.constant 25 : i32
    %scan3A_6 = arith.addi %scan3A, %scan3A_5 : i32
    %scan3A_7 = arith.constant 1 : i32
    scf.for %scan3A_14 = %scan3A to %scan3A_6 step %scan3A_7  : i32 {
      %mul3A_15 = arith.constant 1 : i32
      %mul3A_16 = arith.muli %scan3A_14, %mul3A_15 : i32
      %add3A_17 = arith.constant 0 : i32
      %add3A_18 = arith.addi %add3A_17, %mul3A_16 : i32
      %mul3A_19 = arith.constant 400 : i32
      %mul3A_20 = arith.muli %add3A_18, %mul3A_19 : i32
      %add3A_21 = arith.addi %multiple_of3A, %mul3A_20 : i32
      %multiple_of3A_22 = tpu.assume_multiple %add3A_21, 8 : i32
      %mul3A_23 = arith.constant 5 : i32
      %mul3A_24 = arith.muli %add3A_18, %mul3A_23 : i32
      %add3A_25 = arith.addi %mul3A_4, %mul3A_24 : i32
      "tpu.region"() ({
        %run_scoped3A = tpu.sem_alloc : memref<!tpu.dma_semaphore, #tpu.memory_space<semaphore_mem>>
        %dma_start3A_124 = arith.constant 0 : i32
        %dma_start3A_125 = tpu.memref_slice %arg3[%add3A_25, %dma_start3A_124] : memref<4000x80xi32, #tpu.memory_space<hbm>> -> memref<5x80xi32, #tpu.memory_space<hbm>>
        %dma_start3A_126 = arith.constant 0 : i32
        %dma_start3A_127 = tpu.memref_slice %arg3[%add3A_25, %dma_start3A_126] : memref<4000x80xi32, #tpu.memory_space<hbm>> -> memref<5x80xi32, #tpu.memory_space<hbm>>
        tpu.enqueue_dma source(%dma_start3A_127 : memref<5x80xi32, #tpu.memory_space<hbm>>) target(%arg7 : memref<5x80xi32, #tpu.memory_space<vmem>>) target_semaphore(%run_scoped3A : memref<!tpu.dma_semaphore, #tpu.memory_space<semaphore_mem>>)
        %dma_wait3A_128 = arith.constant 0 : i32
        %dma_wait3A_129 = tpu.memref_slice %arg3[%add3A_25, %dma_wait3A_128] : memref<4000x80xi32, #tpu.memory_space<hbm>> -> memref<5x80xi32, #tpu.memory_space<hbm>>
        %dma_wait3A_130 = arith.constant 0 : i32
        %dma_wait3A_131 = tpu.memref_slice %arg3[%add3A_25, %dma_wait3A_130] : memref<4000x80xi32, #tpu.memory_space<hbm>> -> memref<5x80xi32, #tpu.memory_space<hbm>>
        tpu.wait_dma2 semaphore(%run_scoped3A : memref<!tpu.dma_semaphore, #tpu.memory_space<semaphore_mem>>) src(%dma_wait3A_131 : memref<5x80xi32, #tpu.memory_space<hbm>>) dst(%arg7 : memref<5x80xi32, #tpu.memory_space<vmem>>)
        tpu.yield
      }) : () -> ()
      %dma_start3A = arith.constant 0 : i32
      %dma_start3A_26 = arith.constant 0 : i32
      %dma_start3A_27 = arith.constant 0 : i32
      %dma_start3A_28 = tpu.memref_slice %arg8[%dma_start3A_26, %dma_start3A_27] : memref<400x128xf32, #tpu.memory_space<vmem>> -> memref<80x128xf32, #tpu.memory_space<vmem>>
      %dma_start3A_29 = arith.constant 0 : i32
      %dma_start3A_30 = tpu.memref_slice %arg7[%dma_start3A, %dma_start3A_29] : memref<5x80xi32, #tpu.memory_space<vmem>> -> memref<1x80xi32, #tpu.memory_space<vmem>>
      %dma_start3A_31 = tpu.memref_squeeze %dma_start3A_30 : memref<1x80xi32, #tpu.memory_space<vmem>> -> memref<80xi32, #tpu.memory_space<vmem>>
      %dma_start3A_32 = arith.constant 0 : i32
      %dma_start3A_33 = arith.constant 0 : i32
      %dma_start3A_34 = tpu.memref_slice %arg2[%dma_start3A_32, %dma_start3A_33] : memref<10000x128xf32, #tpu.memory_space<hbm>> -> memref<10000x128xf32, #tpu.memory_space<hbm>>
      tpu.enqueue_indirect_dma source(%dma_start3A_34 : memref<10000x128xf32, #tpu.memory_space<hbm>>) target(%dma_start3A_28 : memref<80x128xf32, #tpu.memory_space<vmem>>) offsets(%dma_start3A_31 : memref<80xi32, #tpu.memory_space<vmem>>) semaphore(%arg9 : memref<!tpu.dma_semaphore, #tpu.memory_space<semaphore_mem>>)
      %dma_start3A_35 = arith.constant 1 : i32
      %dma_start3A_36 = arith.constant 80 : i32
      %dma_start3A_37 = arith.constant 0 : i32
      %dma_start3A_38 = tpu.memref_slice %arg8[%dma_start3A_36, %dma_start3A_37] : memref<400x128xf32, #tpu.memory_space<vmem>> -> memref<80x128xf32, #tpu.memory_space<vmem>>
      %dma_start3A_39 = arith.constant 0 : i32
      %dma_start3A_40 = tpu.memref_slice %arg7[%dma_start3A_35, %dma_start3A_39] : memref<5x80xi32, #tpu.memory_space<vmem>> -> memref<1x80xi32, #tpu.memory_space<vmem>>
      %dma_start3A_41 = tpu.memref_squeeze %dma_start3A_40 : memref<1x80xi32, #tpu.memory_space<vmem>> -> memref<80xi32, #tpu.memory_space<vmem>>
      %dma_start3A_42 = arith.constant 0 : i32
      %dma_start3A_43 = arith.constant 0 : i32
      %dma_start3A_44 = tpu.memref_slice %arg2[%dma_start3A_42, %dma_start3A_43] : memref<10000x128xf32, #tpu.memory_space<hbm>> -> memref<10000x128xf32, #tpu.memory_space<hbm>>
      tpu.enqueue_indirect_dma source(%dma_start3A_44 : memref<10000x128xf32, #tpu.memory_space<hbm>>) target(%dma_start3A_38 : memref<80x128xf32, #tpu.memory_space<vmem>>) offsets(%dma_start3A_41 : memref<80xi32, #tpu.memory_space<vmem>>) semaphore(%arg9 : memref<!tpu.dma_semaphore, #tpu.memory_space<semaphore_mem>>)
      %dma_start3A_45 = arith.constant 2 : i32
      %dma_start3A_46 = arith.constant 160 : i32
      %dma_start3A_47 = arith.constant 0 : i32
      %dma_start3A_48 = tpu.memref_slice %arg8[%dma_start3A_46, %dma_start3A_47] : memref<400x128xf32, #tpu.memory_space<vmem>> -> memref<80x128xf32, #tpu.memory_space<vmem>>
      %dma_start3A_49 = arith.constant 0 : i32
      %dma_start3A_50 = tpu.memref_slice %arg7[%dma_start3A_45, %dma_start3A_49] : memref<5x80xi32, #tpu.memory_space<vmem>> -> memref<1x80xi32, #tpu.memory_space<vmem>>
      %dma_start3A_51 = tpu.memref_squeeze %dma_start3A_50 : memref<1x80xi32, #tpu.memory_space<vmem>> -> memref<80xi32, #tpu.memory_space<vmem>>
      %dma_start3A_52 = arith.constant 0 : i32
      %dma_start3A_53 = arith.constant 0 : i32
      %dma_start3A_54 = tpu.memref_slice %arg2[%dma_start3A_52, %dma_start3A_53] : memref<10000x128xf32, #tpu.memory_space<hbm>> -> memref<10000x128xf32, #tpu.memory_space<hbm>>
      tpu.enqueue_indirect_dma source(%dma_start3A_54 : memref<10000x128xf32, #tpu.memory_space<hbm>>) target(%dma_start3A_48 : memref<80x128xf32, #tpu.memory_space<vmem>>) offsets(%dma_start3A_51 : memref<80xi32, #tpu.memory_space<vmem>>) semaphore(%arg9 : memref<!tpu.dma_semaphore, #tpu.memory_space<semaphore_mem>>)
      %dma_start3A_55 = arith.constant 3 : i32
      %dma_start3A_56 = arith.constant 240 : i32
      %dma_start3A_57 = arith.constant 0 : i32
      %dma_start3A_58 = tpu.memref_slice %arg8[%dma_start3A_56, %dma_start3A_57] : memref<400x128xf32, #tpu.memory_space<vmem>> -> memref<80x128xf32, #tpu.memory_space<vmem>>
      %dma_start3A_59 = arith.constant 0 : i32
      %dma_start3A_60 = tpu.memref_slice %arg7[%dma_start3A_55, %dma_start3A_59] : memref<5x80xi32, #tpu.memory_space<vmem>> -> memref<1x80xi32, #tpu.memory_space<vmem>>
      %dma_start3A_61 = tpu.memref_squeeze %dma_start3A_60 : memref<1x80xi32, #tpu.memory_space<vmem>> -> memref<80xi32, #tpu.memory_space<vmem>>
      %dma_start3A_62 = arith.constant 0 : i32
      %dma_start3A_63 = arith.constant 0 : i32
      %dma_start3A_64 = tpu.memref_slice %arg2[%dma_start3A_62, %dma_start3A_63] : memref<10000x128xf32, #tpu.memory_space<hbm>> -> memref<10000x128xf32, #tpu.memory_space<hbm>>
      tpu.enqueue_indirect_dma source(%dma_start3A_64 : memref<10000x128xf32, #tpu.memory_space<hbm>>) target(%dma_start3A_58 : memref<80x128xf32, #tpu.memory_space<vmem>>) offsets(%dma_start3A_61 : memref<80xi32, #tpu.memory_space<vmem>>) semaphore(%arg9 : memref<!tpu.dma_semaphore, #tpu.memory_space<semaphore_mem>>)
      %dma_start3A_65 = arith.constant 4 : i32
      %dma_start3A_66 = arith.constant 320 : i32
      %dma_start3A_67 = arith.constant 0 : i32
      %dma_start3A_68 = tpu.memref_slice %arg8[%dma_start3A_66, %dma_start3A_67] : memref<400x128xf32, #tpu.memory_space<vmem>> -> memref<80x128xf32, #tpu.memory_space<vmem>>
      %dma_start3A_69 = arith.constant 0 : i32
      %dma_start3A_70 = tpu.memref_slice %arg7[%dma_start3A_65, %dma_start3A_69] : memref<5x80xi32, #tpu.memory_space<vmem>> -> memref<1x80xi32, #tpu.memory_space<vmem>>
      %dma_start3A_71 = tpu.memref_squeeze %dma_start3A_70 : memref<1x80xi32, #tpu.memory_space<vmem>> -> memref<80xi32, #tpu.memory_space<vmem>>
      %dma_start3A_72 = arith.constant 0 : i32
      %dma_start3A_73 = arith.constant 0 : i32
      %dma_start3A_74 = tpu.memref_slice %arg2[%dma_start3A_72, %dma_start3A_73] : memref<10000x128xf32, #tpu.memory_space<hbm>> -> memref<10000x128xf32, #tpu.memory_space<hbm>>
      tpu.enqueue_indirect_dma source(%dma_start3A_74 : memref<10000x128xf32, #tpu.memory_space<hbm>>) target(%dma_start3A_68 : memref<80x128xf32, #tpu.memory_space<vmem>>) offsets(%dma_start3A_71 : memref<80xi32, #tpu.memory_space<vmem>>) semaphore(%arg9 : memref<!tpu.dma_semaphore, #tpu.memory_space<semaphore_mem>>)
      %dma_wait3A = arith.constant 0 : i32
      %dma_wait3A_75 = arith.constant 0 : i32
      %dma_wait3A_76 = arith.constant 0 : i32
      %dma_wait3A_77 = tpu.memref_slice %arg8[%dma_wait3A_75, %dma_wait3A_76] : memref<400x128xf32, #tpu.memory_space<vmem>> -> memref<80x128xf32, #tpu.memory_space<vmem>>
      %dma_wait3A_78 = arith.constant 0 : i32
      %dma_wait3A_79 = tpu.memref_slice %arg7[%dma_wait3A, %dma_wait3A_78] : memref<5x80xi32, #tpu.memory_space<vmem>> -> memref<1x80xi32, #tpu.memory_space<vmem>>
      %dma_wait3A_80 = tpu.memref_squeeze %dma_wait3A_79 : memref<1x80xi32, #tpu.memory_space<vmem>> -> memref<80xi32, #tpu.memory_space<vmem>>
      %dma_wait3A_81 = arith.constant 0 : i32
      %dma_wait3A_82 = arith.constant 0 : i32
      %dma_wait3A_83 = tpu.memref_slice %arg2[%dma_wait3A_81, %dma_wait3A_82] : memref<10000x128xf32, #tpu.memory_space<hbm>> -> memref<10000x128xf32, #tpu.memory_space<hbm>>
      tpu.wait_indirect_dma semaphore(%arg9 : memref<!tpu.dma_semaphore, #tpu.memory_space<semaphore_mem>>) src(%dma_wait3A_83 : memref<10000x128xf32, #tpu.memory_space<hbm>>) dst(%dma_wait3A_77 : memref<80x128xf32, #tpu.memory_space<vmem>>)
      %dma_wait3A_84 = arith.constant 1 : i32
      %dma_wait3A_85 = arith.constant 80 : i32
      %dma_wait3A_86 = arith.constant 0 : i32
      %dma_wait3A_87 = tpu.memref_slice %arg8[%dma_wait3A_85, %dma_wait3A_86] : memref<400x128xf32, #tpu.memory_space<vmem>> -> memref<80x128xf32, #tpu.memory_space<vmem>>
      %dma_wait3A_88 = arith.constant 0 : i32
      %dma_wait3A_89 = tpu.memref_slice %arg7[%dma_wait3A_84, %dma_wait3A_88] : memref<5x80xi32, #tpu.memory_space<vmem>> -> memref<1x80xi32, #tpu.memory_space<vmem>>
      %dma_wait3A_90 = tpu.memref_squeeze %dma_wait3A_89 : memref<1x80xi32, #tpu.memory_space<vmem>> -> memref<80xi32, #tpu.memory_space<vmem>>
      %dma_wait3A_91 = arith.constant 0 : i32
      %dma_wait3A_92 = arith.constant 0 : i32
      %dma_wait3A_93 = tpu.memref_slice %arg2[%dma_wait3A_91, %dma_wait3A_92] : memref<10000x128xf32, #tpu.memory_space<hbm>> -> memref<10000x128xf32, #tpu.memory_space<hbm>>
      tpu.wait_indirect_dma semaphore(%arg9 : memref<!tpu.dma_semaphore, #tpu.memory_space<semaphore_mem>>) src(%dma_wait3A_93 : memref<10000x128xf32, #tpu.memory_space<hbm>>) dst(%dma_wait3A_87 : memref<80x128xf32, #tpu.memory_space<vmem>>)
      %dma_wait3A_94 = arith.constant 2 : i32
      %dma_wait3A_95 = arith.constant 160 : i32
      %dma_wait3A_96 = arith.constant 0 : i32
      %dma_wait3A_97 = tpu.memref_slice %arg8[%dma_wait3A_95, %dma_wait3A_96] : memref<400x128xf32, #tpu.memory_space<vmem>> -> memref<80x128xf32, #tpu.memory_space<vmem>>
      %dma_wait3A_98 = arith.constant 0 : i32
      %dma_wait3A_99 = tpu.memref_slice %arg7[%dma_wait3A_94, %dma_wait3A_98] : memref<5x80xi32, #tpu.memory_space<vmem>> -> memref<1x80xi32, #tpu.memory_space<vmem>>
      %dma_wait3A_100 = tpu.memref_squeeze %dma_wait3A_99 : memref<1x80xi32, #tpu.memory_space<vmem>> -> memref<80xi32, #tpu.memory_space<vmem>>
      %dma_wait3A_101 = arith.constant 0 : i32
      %dma_wait3A_102 = arith.constant 0 : i32
      %dma_wait3A_103 = tpu.memref_slice %arg2[%dma_wait3A_101, %dma_wait3A_102] : memref<10000x128xf32, #tpu.memory_space<hbm>> -> memref<10000x128xf32, #tpu.memory_space<hbm>>
      tpu.wait_indirect_dma semaphore(%arg9 : memref<!tpu.dma_semaphore, #tpu.memory_space<semaphore_mem>>) src(%dma_wait3A_103 : memref<10000x128xf32, #tpu.memory_space<hbm>>) dst(%dma_wait3A_97 : memref<80x128xf32, #tpu.memory_space<vmem>>)
      %dma_wait3A_104 = arith.constant 3 : i32
      %dma_wait3A_105 = arith.constant 240 : i32
      %dma_wait3A_106 = arith.constant 0 : i32
      %dma_wait3A_107 = tpu.memref_slice %arg8[%dma_wait3A_105, %dma_wait3A_106] : memref<400x128xf32, #tpu.memory_space<vmem>> -> memref<80x128xf32, #tpu.memory_space<vmem>>
      %dma_wait3A_108 = arith.constant 0 : i32
      %dma_wait3A_109 = tpu.memref_slice %arg7[%dma_wait3A_104, %dma_wait3A_108] : memref<5x80xi32, #tpu.memory_space<vmem>> -> memref<1x80xi32, #tpu.memory_space<vmem>>
      %dma_wait3A_110 = tpu.memref_squeeze %dma_wait3A_109 : memref<1x80xi32, #tpu.memory_space<vmem>> -> memref<80xi32, #tpu.memory_space<vmem>>
      %dma_wait3A_111 = arith.constant 0 : i32
      %dma_wait3A_112 = arith.constant 0 : i32
      %dma_wait3A_113 = tpu.memref_slice %arg2[%dma_wait3A_111, %dma_wait3A_112] : memref<10000x128xf32, #tpu.memory_space<hbm>> -> memref<10000x128xf32, #tpu.memory_space<hbm>>
      tpu.wait_indirect_dma semaphore(%arg9 : memref<!tpu.dma_semaphore, #tpu.memory_space<semaphore_mem>>) src(%dma_wait3A_113 : memref<10000x128xf32, #tpu.memory_space<hbm>>) dst(%dma_wait3A_107 : memref<80x128xf32, #tpu.memory_space<vmem>>)
      %dma_wait3A_114 = arith.constant 4 : i32
      %dma_wait3A_115 = arith.constant 320 : i32
      %dma_wait3A_116 = arith.constant 0 : i32
      %dma_wait3A_117 = tpu.memref_slice %arg8[%dma_wait3A_115, %dma_wait3A_116] : memref<400x128xf32, #tpu.memory_space<vmem>> -> memref<80x128xf32, #tpu.memory_space<vmem>>
      %dma_wait3A_118 = arith.constant 0 : i32
      %dma_wait3A_119 = tpu.memref_slice %arg7[%dma_wait3A_114, %dma_wait3A_118] : memref<5x80xi32, #tpu.memory_space<vmem>> -> memref<1x80xi32, #tpu.memory_space<vmem>>
      %dma_wait3A_120 = tpu.memref_squeeze %dma_wait3A_119 : memref<1x80xi32, #tpu.memory_space<vmem>> -> memref<80xi32, #tpu.memory_space<vmem>>
      %dma_wait3A_121 = arith.constant 0 : i32
      %dma_wait3A_122 = arith.constant 0 : i32
      %dma_wait3A_123 = tpu.memref_slice %arg2[%dma_wait3A_121, %dma_wait3A_122] : memref<10000x128xf32, #tpu.memory_space<hbm>> -> memref<10000x128xf32, #tpu.memory_space<hbm>>
      tpu.wait_indirect_dma semaphore(%arg9 : memref<!tpu.dma_semaphore, #tpu.memory_space<semaphore_mem>>) src(%dma_wait3A_123 : memref<10000x128xf32, #tpu.memory_space<hbm>>) dst(%dma_wait3A_117 : memref<80x128xf32, #tpu.memory_space<vmem>>)
      "tpu.region"() ({
        %run_scoped3A = tpu.sem_alloc : memref<!tpu.dma_semaphore, #tpu.memory_space<semaphore_mem>>
        %dma_start3A_124 = arith.constant 0 : i32
        %dma_start3A_125 = tpu.memref_slice %arg5[%multiple_of3A_22, %dma_start3A_124] : memref<320000x128xf32, #tpu.memory_space<hbm>> -> memref<400x128xf32, #tpu.memory_space<hbm>>
        %dma_start3A_126 = arith.constant 0 : i32
        %dma_start3A_127 = tpu.memref_slice %arg5[%multiple_of3A_22, %dma_start3A_126] : memref<320000x128xf32, #tpu.memory_space<hbm>> -> memref<400x128xf32, #tpu.memory_space<hbm>>
        tpu.enqueue_dma source(%arg8 : memref<400x128xf32, #tpu.memory_space<vmem>>) target(%dma_start3A_127 : memref<400x128xf32, #tpu.memory_space<hbm>>) target_semaphore(%run_scoped3A : memref<!tpu.dma_semaphore, #tpu.memory_space<semaphore_mem>>)
        %dma_wait3A_128 = arith.constant 0 : i32
        %dma_wait3A_129 = tpu.memref_slice %arg5[%multiple_of3A_22, %dma_wait3A_128] : memref<320000x128xf32, #tpu.memory_space<hbm>> -> memref<400x128xf32, #tpu.memory_space<hbm>>
        %dma_wait3A_130 = arith.constant 0 : i32
        %dma_wait3A_131 = tpu.memref_slice %arg5[%multiple_of3A_22, %dma_wait3A_130] : memref<320000x128xf32, #tpu.memory_space<hbm>> -> memref<400x128xf32, #tpu.memory_space<hbm>>
        tpu.wait_dma2 semaphore(%run_scoped3A : memref<!tpu.dma_semaphore, #tpu.memory_space<semaphore_mem>>) src(%arg8 : memref<400x128xf32, #tpu.memory_space<vmem>>) dst(%dma_wait3A_131 : memref<400x128xf32, #tpu.memory_space<hbm>>)
        tpu.yield
      }) : () -> ()
    }
    %scan3A_8 = arith.constant 25 : i32
    %scan3A_9 = arith.constant 0 : i32
    %scan3A_10 = arith.constant 25 : i32
    %scan3A_11 = arith.addi %scan3A_9, %scan3A_10 : i32
    %scan3A_12 = arith.constant 1 : i32
    scf.for %scan3A_14 = %scan3A_9 to %scan3A_11 step %scan3A_12  : i32 {
      %mul3A_15 = arith.constant 1 : i32
      %mul3A_16 = arith.muli %scan3A_14, %mul3A_15 : i32
      %add3A_17 = arith.constant 0 : i32
      %add3A_18 = arith.addi %add3A_17, %mul3A_16 : i32
      %mul3A_19 = arith.constant 400 : i32
      %mul3A_20 = arith.muli %add3A_18, %mul3A_19 : i32
      %add3A_21 = arith.addi %multiple_of3A, %mul3A_20 : i32
      %multiple_of3A_22 = tpu.assume_multiple %add3A_21, 8 : i32
      %mul3A_23 = arith.constant 5 : i32
      %mul3A_24 = arith.muli %add3A_18, %mul3A_23 : i32
      %add3A_25 = arith.addi %mul3A_4, %mul3A_24 : i32
      "tpu.region"() ({
        %run_scoped3A = tpu.sem_alloc : memref<!tpu.dma_semaphore, #tpu.memory_space<semaphore_mem>>
        %dma_start3A_124 = arith.constant 0 : i32
        %dma_start3A_125 = tpu.memref_slice %arg4[%add3A_25, %dma_start3A_124] : memref<4000x80xi32, #tpu.memory_space<hbm>> -> memref<5x80xi32, #tpu.memory_space<hbm>>
        %dma_start3A_126 = arith.constant 0 : i32
        %dma_start3A_127 = tpu.memref_slice %arg4[%add3A_25, %dma_start3A_126] : memref<4000x80xi32, #tpu.memory_space<hbm>> -> memref<5x80xi32, #tpu.memory_space<hbm>>
        tpu.enqueue_dma source(%dma_start3A_127 : memref<5x80xi32, #tpu.memory_space<hbm>>) target(%arg7 : memref<5x80xi32, #tpu.memory_space<vmem>>) target_semaphore(%run_scoped3A : memref<!tpu.dma_semaphore, #tpu.memory_space<semaphore_mem>>)
        %dma_wait3A_128 = arith.constant 0 : i32
        %dma_wait3A_129 = tpu.memref_slice %arg4[%add3A_25, %dma_wait3A_128] : memref<4000x80xi32, #tpu.memory_space<hbm>> -> memref<5x80xi32, #tpu.memory_space<hbm>>
        %dma_wait3A_130 = arith.constant 0 : i32
        %dma_wait3A_131 = tpu.memref_slice %arg4[%add3A_25, %dma_wait3A_130] : memref<4000x80xi32, #tpu.memory_space<hbm>> -> memref<5x80xi32, #tpu.memory_space<hbm>>
        tpu.wait_dma2 semaphore(%run_scoped3A : memref<!tpu.dma_semaphore, #tpu.memory_space<semaphore_mem>>) src(%dma_wait3A_131 : memref<5x80xi32, #tpu.memory_space<hbm>>) dst(%arg7 : memref<5x80xi32, #tpu.memory_space<vmem>>)
        tpu.yield
      }) : () -> ()
      %dma_start3A = arith.constant 0 : i32
      %dma_start3A_26 = arith.constant 0 : i32
      %dma_start3A_27 = arith.constant 0 : i32
      %dma_start3A_28 = tpu.memref_slice %arg8[%dma_start3A_26, %dma_start3A_27] : memref<400x128xf32, #tpu.memory_space<vmem>> -> memref<80x128xf32, #tpu.memory_space<vmem>>
      %dma_start3A_29 = arith.constant 0 : i32
      %dma_start3A_30 = tpu.memref_slice %arg7[%dma_start3A, %dma_start3A_29] : memref<5x80xi32, #tpu.memory_space<vmem>> -> memref<1x80xi32, #tpu.memory_space<vmem>>
      %dma_start3A_31 = tpu.memref_squeeze %dma_start3A_30 : memref<1x80xi32, #tpu.memory_space<vmem>> -> memref<80xi32, #tpu.memory_space<vmem>>
      %dma_start3A_32 = arith.constant 0 : i32
      %dma_start3A_33 = arith.constant 0 : i32
      %dma_start3A_34 = tpu.memref_slice %arg2[%dma_start3A_32, %dma_start3A_33] : memref<10000x128xf32, #tpu.memory_space<hbm>> -> memref<10000x128xf32, #tpu.memory_space<hbm>>
      tpu.enqueue_indirect_dma source(%dma_start3A_34 : memref<10000x128xf32, #tpu.memory_space<hbm>>) target(%dma_start3A_28 : memref<80x128xf32, #tpu.memory_space<vmem>>) offsets(%dma_start3A_31 : memref<80xi32, #tpu.memory_space<vmem>>) semaphore(%arg9 : memref<!tpu.dma_semaphore, #tpu.memory_space<semaphore_mem>>)
      %dma_start3A_35 = arith.constant 1 : i32
      %dma_start3A_36 = arith.constant 80 : i32
      %dma_start3A_37 = arith.constant 0 : i32
      %dma_start3A_38 = tpu.memref_slice %arg8[%dma_start3A_36, %dma_start3A_37] : memref<400x128xf32, #tpu.memory_space<vmem>> -> memref<80x128xf32, #tpu.memory_space<vmem>>
      %dma_start3A_39 = arith.constant 0 : i32
      %dma_start3A_40 = tpu.memref_slice %arg7[%dma_start3A_35, %dma_start3A_39] : memref<5x80xi32, #tpu.memory_space<vmem>> -> memref<1x80xi32, #tpu.memory_space<vmem>>
      %dma_start3A_41 = tpu.memref_squeeze %dma_start3A_40 : memref<1x80xi32, #tpu.memory_space<vmem>> -> memref<80xi32, #tpu.memory_space<vmem>>
      %dma_start3A_42 = arith.constant 0 : i32
      %dma_start3A_43 = arith.constant 0 : i32
      %dma_start3A_44 = tpu.memref_slice %arg2[%dma_start3A_42, %dma_start3A_43] : memref<10000x128xf32, #tpu.memory_space<hbm>> -> memref<10000x128xf32, #tpu.memory_space<hbm>>
      tpu.enqueue_indirect_dma source(%dma_start3A_44 : memref<10000x128xf32, #tpu.memory_space<hbm>>) target(%dma_start3A_38 : memref<80x128xf32, #tpu.memory_space<vmem>>) offsets(%dma_start3A_41 : memref<80xi32, #tpu.memory_space<vmem>>) semaphore(%arg9 : memref<!tpu.dma_semaphore, #tpu.memory_space<semaphore_mem>>)
      %dma_start3A_45 = arith.constant 2 : i32
      %dma_start3A_46 = arith.constant 160 : i32
      %dma_start3A_47 = arith.constant 0 : i32
      %dma_start3A_48 = tpu.memref_slice %arg8[%dma_start3A_46, %dma_start3A_47] : memref<400x128xf32, #tpu.memory_space<vmem>> -> memref<80x128xf32, #tpu.memory_space<vmem>>
      %dma_start3A_49 = arith.constant 0 : i32
      %dma_start3A_50 = tpu.memref_slice %arg7[%dma_start3A_45, %dma_start3A_49] : memref<5x80xi32, #tpu.memory_space<vmem>> -> memref<1x80xi32, #tpu.memory_space<vmem>>
      %dma_start3A_51 = tpu.memref_squeeze %dma_start3A_50 : memref<1x80xi32, #tpu.memory_space<vmem>> -> memref<80xi32, #tpu.memory_space<vmem>>
      %dma_start3A_52 = arith.constant 0 : i32
      %dma_start3A_53 = arith.constant 0 : i32
      %dma_start3A_54 = tpu.memref_slice %arg2[%dma_start3A_52, %dma_start3A_53] : memref<10000x128xf32, #tpu.memory_space<hbm>> -> memref<10000x128xf32, #tpu.memory_space<hbm>>
      tpu.enqueue_indirect_dma source(%dma_start3A_54 : memref<10000x128xf32, #tpu.memory_space<hbm>>) target(%dma_start3A_48 : memref<80x128xf32, #tpu.memory_space<vmem>>) offsets(%dma_start3A_51 : memref<80xi32, #tpu.memory_space<vmem>>) semaphore(%arg9 : memref<!tpu.dma_semaphore, #tpu.memory_space<semaphore_mem>>)
      %dma_start3A_55 = arith.constant 3 : i32
      %dma_start3A_56 = arith.constant 240 : i32
      %dma_start3A_57 = arith.constant 0 : i32
      %dma_start3A_58 = tpu.memref_slice %arg8[%dma_start3A_56, %dma_start3A_57] : memref<400x128xf32, #tpu.memory_space<vmem>> -> memref<80x128xf32, #tpu.memory_space<vmem>>
      %dma_start3A_59 = arith.constant 0 : i32
      %dma_start3A_60 = tpu.memref_slice %arg7[%dma_start3A_55, %dma_start3A_59] : memref<5x80xi32, #tpu.memory_space<vmem>> -> memref<1x80xi32, #tpu.memory_space<vmem>>
      %dma_start3A_61 = tpu.memref_squeeze %dma_start3A_60 : memref<1x80xi32, #tpu.memory_space<vmem>> -> memref<80xi32, #tpu.memory_space<vmem>>
      %dma_start3A_62 = arith.constant 0 : i32
      %dma_start3A_63 = arith.constant 0 : i32
      %dma_start3A_64 = tpu.memref_slice %arg2[%dma_start3A_62, %dma_start3A_63] : memref<10000x128xf32, #tpu.memory_space<hbm>> -> memref<10000x128xf32, #tpu.memory_space<hbm>>
      tpu.enqueue_indirect_dma source(%dma_start3A_64 : memref<10000x128xf32, #tpu.memory_space<hbm>>) target(%dma_start3A_58 : memref<80x128xf32, #tpu.memory_space<vmem>>) offsets(%dma_start3A_61 : memref<80xi32, #tpu.memory_space<vmem>>) semaphore(%arg9 : memref<!tpu.dma_semaphore, #tpu.memory_space<semaphore_mem>>)
      %dma_start3A_65 = arith.constant 4 : i32
      %dma_start3A_66 = arith.constant 320 : i32
      %dma_start3A_67 = arith.constant 0 : i32
      %dma_start3A_68 = tpu.memref_slice %arg8[%dma_start3A_66, %dma_start3A_67] : memref<400x128xf32, #tpu.memory_space<vmem>> -> memref<80x128xf32, #tpu.memory_space<vmem>>
      %dma_start3A_69 = arith.constant 0 : i32
      %dma_start3A_70 = tpu.memref_slice %arg7[%dma_start3A_65, %dma_start3A_69] : memref<5x80xi32, #tpu.memory_space<vmem>> -> memref<1x80xi32, #tpu.memory_space<vmem>>
      %dma_start3A_71 = tpu.memref_squeeze %dma_start3A_70 : memref<1x80xi32, #tpu.memory_space<vmem>> -> memref<80xi32, #tpu.memory_space<vmem>>
      %dma_start3A_72 = arith.constant 0 : i32
      %dma_start3A_73 = arith.constant 0 : i32
      %dma_start3A_74 = tpu.memref_slice %arg2[%dma_start3A_72, %dma_start3A_73] : memref<10000x128xf32, #tpu.memory_space<hbm>> -> memref<10000x128xf32, #tpu.memory_space<hbm>>
      tpu.enqueue_indirect_dma source(%dma_start3A_74 : memref<10000x128xf32, #tpu.memory_space<hbm>>) target(%dma_start3A_68 : memref<80x128xf32, #tpu.memory_space<vmem>>) offsets(%dma_start3A_71 : memref<80xi32, #tpu.memory_space<vmem>>) semaphore(%arg9 : memref<!tpu.dma_semaphore, #tpu.memory_space<semaphore_mem>>)
      %dma_wait3A = arith.constant 0 : i32
      %dma_wait3A_75 = arith.constant 0 : i32
      %dma_wait3A_76 = arith.constant 0 : i32
      %dma_wait3A_77 = tpu.memref_slice %arg8[%dma_wait3A_75, %dma_wait3A_76] : memref<400x128xf32, #tpu.memory_space<vmem>> -> memref<80x128xf32, #tpu.memory_space<vmem>>
      %dma_wait3A_78 = arith.constant 0 : i32
      %dma_wait3A_79 = tpu.memref_slice %arg7[%dma_wait3A, %dma_wait3A_78] : memref<5x80xi32, #tpu.memory_space<vmem>> -> memref<1x80xi32, #tpu.memory_space<vmem>>
      %dma_wait3A_80 = tpu.memref_squeeze %dma_wait3A_79 : memref<1x80xi32, #tpu.memory_space<vmem>> -> memref<80xi32, #tpu.memory_space<vmem>>
      %dma_wait3A_81 = arith.constant 0 : i32
      %dma_wait3A_82 = arith.constant 0 : i32
      %dma_wait3A_83 = tpu.memref_slice %arg2[%dma_wait3A_81, %dma_wait3A_82] : memref<10000x128xf32, #tpu.memory_space<hbm>> -> memref<10000x128xf32, #tpu.memory_space<hbm>>
      tpu.wait_indirect_dma semaphore(%arg9 : memref<!tpu.dma_semaphore, #tpu.memory_space<semaphore_mem>>) src(%dma_wait3A_83 : memref<10000x128xf32, #tpu.memory_space<hbm>>) dst(%dma_wait3A_77 : memref<80x128xf32, #tpu.memory_space<vmem>>)
      %dma_wait3A_84 = arith.constant 1 : i32
      %dma_wait3A_85 = arith.constant 80 : i32
      %dma_wait3A_86 = arith.constant 0 : i32
      %dma_wait3A_87 = tpu.memref_slice %arg8[%dma_wait3A_85, %dma_wait3A_86] : memref<400x128xf32, #tpu.memory_space<vmem>> -> memref<80x128xf32, #tpu.memory_space<vmem>>
      %dma_wait3A_88 = arith.constant 0 : i32
      %dma_wait3A_89 = tpu.memref_slice %arg7[%dma_wait3A_84, %dma_wait3A_88] : memref<5x80xi32, #tpu.memory_space<vmem>> -> memref<1x80xi32, #tpu.memory_space<vmem>>
      %dma_wait3A_90 = tpu.memref_squeeze %dma_wait3A_89 : memref<1x80xi32, #tpu.memory_space<vmem>> -> memref<80xi32, #tpu.memory_space<vmem>>
      %dma_wait3A_91 = arith.constant 0 : i32
      %dma_wait3A_92 = arith.constant 0 : i32
      %dma_wait3A_93 = tpu.memref_slice %arg2[%dma_wait3A_91, %dma_wait3A_92] : memref<10000x128xf32, #tpu.memory_space<hbm>> -> memref<10000x128xf32, #tpu.memory_space<hbm>>
      tpu.wait_indirect_dma semaphore(%arg9 : memref<!tpu.dma_semaphore, #tpu.memory_space<semaphore_mem>>) src(%dma_wait3A_93 : memref<10000x128xf32, #tpu.memory_space<hbm>>) dst(%dma_wait3A_87 : memref<80x128xf32, #tpu.memory_space<vmem>>)
      %dma_wait3A_94 = arith.constant 2 : i32
      %dma_wait3A_95 = arith.constant 160 : i32
      %dma_wait3A_96 = arith.constant 0 : i32
      %dma_wait3A_97 = tpu.memref_slice %arg8[%dma_wait3A_95, %dma_wait3A_96] : memref<400x128xf32, #tpu.memory_space<vmem>> -> memref<80x128xf32, #tpu.memory_space<vmem>>
      %dma_wait3A_98 = arith.constant 0 : i32
      %dma_wait3A_99 = tpu.memref_slice %arg7[%dma_wait3A_94, %dma_wait3A_98] : memref<5x80xi32, #tpu.memory_space<vmem>> -> memref<1x80xi32, #tpu.memory_space<vmem>>
      %dma_wait3A_100 = tpu.memref_squeeze %dma_wait3A_99 : memref<1x80xi32, #tpu.memory_space<vmem>> -> memref<80xi32, #tpu.memory_space<vmem>>
      %dma_wait3A_101 = arith.constant 0 : i32
      %dma_wait3A_102 = arith.constant 0 : i32
      %dma_wait3A_103 = tpu.memref_slice %arg2[%dma_wait3A_101, %dma_wait3A_102] : memref<10000x128xf32, #tpu.memory_space<hbm>> -> memref<10000x128xf32, #tpu.memory_space<hbm>>
      tpu.wait_indirect_dma semaphore(%arg9 : memref<!tpu.dma_semaphore, #tpu.memory_space<semaphore_mem>>) src(%dma_wait3A_103 : memref<10000x128xf32, #tpu.memory_space<hbm>>) dst(%dma_wait3A_97 : memref<80x128xf32, #tpu.memory_space<vmem>>)
      %dma_wait3A_104 = arith.constant 3 : i32
      %dma_wait3A_105 = arith.constant 240 : i32
      %dma_wait3A_106 = arith.constant 0 : i32
      %dma_wait3A_107 = tpu.memref_slice %arg8[%dma_wait3A_105, %dma_wait3A_106] : memref<400x128xf32, #tpu.memory_space<vmem>> -> memref<80x128xf32, #tpu.memory_space<vmem>>
      %dma_wait3A_108 = arith.constant 0 : i32
      %dma_wait3A_109 = tpu.memref_slice %arg7[%dma_wait3A_104, %dma_wait3A_108] : memref<5x80xi32, #tpu.memory_space<vmem>> -> memref<1x80xi32, #tpu.memory_space<vmem>>
      %dma_wait3A_110 = tpu.memref_squeeze %dma_wait3A_109 : memref<1x80xi32, #tpu.memory_space<vmem>> -> memref<80xi32, #tpu.memory_space<vmem>>
      %dma_wait3A_111 = arith.constant 0 : i32
      %dma_wait3A_112 = arith.constant 0 : i32
      %dma_wait3A_113 = tpu.memref_slice %arg2[%dma_wait3A_111, %dma_wait3A_112] : memref<10000x128xf32, #tpu.memory_space<hbm>> -> memref<10000x128xf32, #tpu.memory_space<hbm>>
      tpu.wait_indirect_dma semaphore(%arg9 : memref<!tpu.dma_semaphore, #tpu.memory_space<semaphore_mem>>) src(%dma_wait3A_113 : memref<10000x128xf32, #tpu.memory_space<hbm>>) dst(%dma_wait3A_107 : memref<80x128xf32, #tpu.memory_space<vmem>>)
      %dma_wait3A_114 = arith.constant 4 : i32
      %dma_wait3A_115 = arith.constant 320 : i32
      %dma_wait3A_116 = arith.constant 0 : i32
      %dma_wait3A_117 = tpu.memref_slice %arg8[%dma_wait3A_115, %dma_wait3A_116] : memref<400x128xf32, #tpu.memory_space<vmem>> -> memref<80x128xf32, #tpu.memory_space<vmem>>
      %dma_wait3A_118 = arith.constant 0 : i32
      %dma_wait3A_119 = tpu.memref_slice %arg7[%dma_wait3A_114, %dma_wait3A_118] : memref<5x80xi32, #tpu.memory_space<vmem>> -> memref<1x80xi32, #tpu.memory_space<vmem>>
      %dma_wait3A_120 = tpu.memref_squeeze %dma_wait3A_119 : memref<1x80xi32, #tpu.memory_space<vmem>> -> memref<80xi32, #tpu.memory_space<vmem>>
      %dma_wait3A_121 = arith.constant 0 : i32
      %dma_wait3A_122 = arith.constant 0 : i32
      %dma_wait3A_123 = tpu.memref_slice %arg2[%dma_wait3A_121, %dma_wait3A_122] : memref<10000x128xf32, #tpu.memory_space<hbm>> -> memref<10000x128xf32, #tpu.memory_space<hbm>>
      tpu.wait_indirect_dma semaphore(%arg9 : memref<!tpu.dma_semaphore, #tpu.memory_space<semaphore_mem>>) src(%dma_wait3A_123 : memref<10000x128xf32, #tpu.memory_space<hbm>>) dst(%dma_wait3A_117 : memref<80x128xf32, #tpu.memory_space<vmem>>)
      "tpu.region"() ({
        %run_scoped3A = tpu.sem_alloc : memref<!tpu.dma_semaphore, #tpu.memory_space<semaphore_mem>>
        %dma_start3A_124 = arith.constant 0 : i32
        %dma_start3A_125 = tpu.memref_slice %arg6[%multiple_of3A_22, %dma_start3A_124] : memref<320000x128xf32, #tpu.memory_space<hbm>> -> memref<400x128xf32, #tpu.memory_space<hbm>>
        %dma_start3A_126 = arith.constant 0 : i32
        %dma_start3A_127 = tpu.memref_slice %arg6[%multiple_of3A_22, %dma_start3A_126] : memref<320000x128xf32, #tpu.memory_space<hbm>> -> memref<400x128xf32, #tpu.memory_space<hbm>>
        tpu.enqueue_dma source(%arg8 : memref<400x128xf32, #tpu.memory_space<vmem>>) target(%dma_start3A_127 : memref<400x128xf32, #tpu.memory_space<hbm>>) target_semaphore(%run_scoped3A : memref<!tpu.dma_semaphore, #tpu.memory_space<semaphore_mem>>)
        %dma_wait3A_128 = arith.constant 0 : i32
        %dma_wait3A_129 = tpu.memref_slice %arg6[%multiple_of3A_22, %dma_wait3A_128] : memref<320000x128xf32, #tpu.memory_space<hbm>> -> memref<400x128xf32, #tpu.memory_space<hbm>>
        %dma_wait3A_130 = arith.constant 0 : i32
        %dma_wait3A_131 = tpu.memref_slice %arg6[%multiple_of3A_22, %dma_wait3A_130] : memref<320000x128xf32, #tpu.memory_space<hbm>> -> memref<400x128xf32, #tpu.memory_space<hbm>>
        tpu.wait_dma2 semaphore(%run_scoped3A : memref<!tpu.dma_semaphore, #tpu.memory_space<semaphore_mem>>) src(%arg8 : memref<400x128xf32, #tpu.memory_space<vmem>>) dst(%dma_wait3A_131 : memref<400x128xf32, #tpu.memory_space<hbm>>)
        tpu.yield
      }) : () -> ()
    }
    %scan3A_13 = arith.constant 25 : i32
    return
  }
}

module attributes {stable_mosaic.version = 14 : i64} {
  func.func @_edge_math_body(%arg0: i32, %arg1: memref<2560x128xf32, #tpu.memory_space<vmem>>, %arg2: memref<2560x128xf32, #tpu.memory_space<vmem>>, %arg3: memref<2560x1xi32, #tpu.memory_space<vmem>>, %arg4: memref<16x128xf32, #tpu.memory_space<vmem>>, %arg5: memref<2560x128xf32, #tpu.memory_space<vmem>>) attributes {dimension_semantics = [#tpu.dimension_semantics<arbitrary>], iteration_bounds = array<i64: 125>, scalar_prefetch = 0 : i64, scratch_operands = 0 : i64, tpu.core_type = #tpu.core_type<tc>, window_params = [{transform_indices = @transform_0, window_bounds = array<i64: 2560, 128>}, {transform_indices = @transform_1, window_bounds = array<i64: 2560, 128>}, {transform_indices = @transform_2, window_bounds = array<i64: 2560, 1>}, {pipeline_mode = #tpu.pipeline_mode<synchronous>, transform_indices = @transform_3, window_bounds = array<i64: 16, 128>}, {transform_indices = @transform_4, window_bounds = array<i64: 2560, 128>}]} {
    %get3A = arith.constant 0 : index
    %get3A_0 = arith.constant 0 : index
    %get3A_1 = vector.load %arg1[%get3A, %get3A_0] : memref<2560x128xf32, #tpu.memory_space<vmem>>, vector<2560x128xf32>
    %get3A_2 = arith.constant 0 : index
    %get3A_3 = arith.constant 0 : index
    %get3A_4 = vector.load %arg2[%get3A_2, %get3A_3] : memref<2560x128xf32, #tpu.memory_space<vmem>>, vector<2560x128xf32>
    %get3A_5 = arith.constant 0 : index
    %get3A_6 = arith.constant 0 : index
    %get3A_7 = vector.load %arg3[%get3A_5, %get3A_6] : memref<2560x1xi32, #tpu.memory_space<vmem>>, vector<2560x1xi32>
    %get3A_8 = arith.constant 0 : index
    %get3A_9 = arith.constant 0 : index
    %get3A_10 = vector.load %arg4[%get3A_8, %get3A_9] : memref<16x128xf32, #tpu.memory_space<vmem>>, vector<16x128xf32>
    %iota3A = tpu.iota {dimensions = array<i32: 1>} : vector<1x16xi32>
    %eq3A = vector.broadcast %get3A_7 : vector<2560x1xi32> to vector<2560x16xi32>
    %eq3A_11 = vector.broadcast %iota3A : vector<1x16xi32> to vector<2560x16xi32>
    %eq3A_12 = arith.cmpi eq, %eq3A, %eq3A_11 : vector<2560x16xi32>
    %convert_element_type3A = arith.extui %eq3A_12 : vector<2560x16xi1> to vector<2560x16xi32>
    %convert_element_type3A_13 = arith.sitofp %convert_element_type3A : vector<2560x16xi32> to vector<2560x16xf32>
    %dot_general3A = arith.constant dense<0.000000e+00> : vector<2560x128xf32>
    %dot_general3A_14 = tpu.matmul %convert_element_type3A_13, %get3A_10, %dot_general3A {dimension_numbers = #tpu.dot_dimension_numbers<[1], [0], [0], [1], [0, 0, 1, 1], [], []>, transpose_lhs_hint = false} : vector<2560x16xf32>, vector<16x128xf32>, vector<2560x128xf32> -> vector<2560x128xf32>
    %mul3A = arith.mulf %get3A_1, %get3A_1 : vector<2560x128xf32>
    %reduce_sum3A = arith.constant dense<0.000000e+00> : vector<2560xf32>
    %reduce_sum3A_15 = vector.multi_reduction <add>, %mul3A, %reduce_sum3A [1] : vector<2560x128xf32> to vector<2560xf32>
    %broadcast_in_dim3A = vector.shape_cast %reduce_sum3A_15 : vector<2560xf32> to vector<2560x1xf32>
    %jit3A = arith.constant 1.000000e-07 : f32
    %max3A = vector.broadcast %jit3A : f32 to vector<2560x1xf32>
    %max3A_16 = arith.maximumf %max3A, %broadcast_in_dim3A : vector<2560x1xf32>
    %sqrt3A = math.sqrt %max3A_16 : vector<2560x1xf32>
    %tanh3A = math.tanh %sqrt3A : vector<2560x1xf32>
    %mul3A_17 = vector.broadcast %tanh3A : vector<2560x1xf32> to vector<2560x128xf32>
    %mul3A_18 = arith.mulf %mul3A_17, %get3A_1 : vector<2560x128xf32>
    %div3A = vector.broadcast %sqrt3A : vector<2560x1xf32> to vector<2560x128xf32>
    %div3A_19 = arith.divf %mul3A_18, %div3A : vector<2560x128xf32>
    %mul3A_20 = arith.mulf %div3A_19, %div3A_19 : vector<2560x128xf32>
    %reduce_sum3A_21 = arith.constant dense<0.000000e+00> : vector<2560xf32>
    %reduce_sum3A_22 = vector.multi_reduction <add>, %mul3A_20, %reduce_sum3A_21 [1] : vector<2560x128xf32> to vector<2560xf32>
    %broadcast_in_dim3A_23 = vector.shape_cast %reduce_sum3A_22 : vector<2560xf32> to vector<2560x1xf32>
    %jit3A_24 = arith.constant 1.000000e-07 : f32
    %max3A_25 = vector.broadcast %jit3A_24 : f32 to vector<2560x1xf32>
    %max3A_26 = arith.maximumf %max3A_25, %broadcast_in_dim3A_23 : vector<2560x1xf32>
    %sqrt3A_27 = math.sqrt %max3A_26 : vector<2560x1xf32>
    %gt3A = arith.constant 0.999989986 : f32
    %gt3A_28 = vector.broadcast %gt3A : f32 to vector<2560x1xf32>
    %gt3A_29 = arith.cmpf ogt, %sqrt3A_27, %gt3A_28 : vector<2560x1xf32>
    %div3A_30 = arith.constant 0.999989986 : f32
    %div3A_31 = vector.broadcast %div3A_30 : f32 to vector<2560x1xf32>
    %div3A_32 = arith.divf %div3A_31, %sqrt3A_27 : vector<2560x1xf32>
    %jit3A_33 = arith.constant 1.000000e+00 : f32
    %broadcast_in_dim3A_34 = vector.broadcast %jit3A_33 : f32 to vector<2560x1xf32>
    %select_n3A = arith.select %gt3A_29, %div3A_32, %broadcast_in_dim3A_34 : vector<2560x1xi1>, vector<2560x1xf32>
    %mul3A_35 = vector.broadcast %select_n3A : vector<2560x1xf32> to vector<2560x128xf32>
    %mul3A_36 = arith.mulf %div3A_19, %mul3A_35 : vector<2560x128xf32>
    %mul3A_37 = arith.mulf %get3A_4, %get3A_4 : vector<2560x128xf32>
    %reduce_sum3A_38 = arith.constant dense<0.000000e+00> : vector<2560xf32>
    %reduce_sum3A_39 = vector.multi_reduction <add>, %mul3A_37, %reduce_sum3A_38 [1] : vector<2560x128xf32> to vector<2560xf32>
    %broadcast_in_dim3A_40 = vector.shape_cast %reduce_sum3A_39 : vector<2560xf32> to vector<2560x1xf32>
    %jit3A_41 = arith.constant 1.000000e-07 : f32
    %max3A_42 = vector.broadcast %jit3A_41 : f32 to vector<2560x1xf32>
    %max3A_43 = arith.maximumf %max3A_42, %broadcast_in_dim3A_40 : vector<2560x1xf32>
    %sqrt3A_44 = math.sqrt %max3A_43 : vector<2560x1xf32>
    %mul3A_45 = arith.mulf %mul3A_36, %mul3A_36 : vector<2560x128xf32>
    %reduce_sum3A_46 = arith.constant dense<0.000000e+00> : vector<2560xf32>
    %reduce_sum3A_47 = vector.multi_reduction <add>, %mul3A_45, %reduce_sum3A_46 [1] : vector<2560x128xf32> to vector<2560xf32>
    %broadcast_in_dim3A_48 = vector.shape_cast %reduce_sum3A_47 : vector<2560xf32> to vector<2560x1xf32>
    %sub3A = arith.constant 1.000000e+00 : f32
    %sub3A_49 = vector.broadcast %sub3A : f32 to vector<2560x1xf32>
    %sub3A_50 = arith.subf %sub3A_49, %broadcast_in_dim3A_48 : vector<2560x1xf32>
    %jit3A_51 = arith.constant 1.000000e-07 : f32
    %max3A_52 = vector.broadcast %jit3A_51 : f32 to vector<2560x1xf32>
    %max3A_53 = arith.maximumf %max3A_52, %sub3A_50 : vector<2560x1xf32>
    %div3A_54 = arith.constant 2.000000e+00 : f32
    %div3A_55 = vector.broadcast %div3A_54 : f32 to vector<2560x1xf32>
    %div3A_56 = arith.divf %div3A_55, %max3A_53 : vector<2560x1xf32>
    %mul3A_57 = arith.constant 5.000000e-01 : f32
    %mul3A_58 = vector.broadcast %mul3A_57 : f32 to vector<2560x1xf32>
    %mul3A_59 = arith.mulf %mul3A_58, %div3A_56 : vector<2560x1xf32>
    %mul3A_60 = arith.mulf %mul3A_59, %sqrt3A_44 : vector<2560x1xf32>
    %tanh3A_61 = math.tanh %mul3A_60 : vector<2560x1xf32>
    %mul3A_62 = vector.broadcast %tanh3A_61 : vector<2560x1xf32> to vector<2560x128xf32>
    %mul3A_63 = arith.mulf %mul3A_62, %get3A_4 : vector<2560x128xf32>
    %div3A_64 = vector.broadcast %sqrt3A_44 : vector<2560x1xf32> to vector<2560x128xf32>
    %div3A_65 = arith.divf %mul3A_63, %div3A_64 : vector<2560x128xf32>
    %mul3A_66 = arith.mulf %mul3A_36, %mul3A_36 : vector<2560x128xf32>
    %reduce_sum3A_67 = arith.constant dense<0.000000e+00> : vector<2560xf32>
    %reduce_sum3A_68 = vector.multi_reduction <add>, %mul3A_66, %reduce_sum3A_67 [1] : vector<2560x128xf32> to vector<2560xf32>
    %broadcast_in_dim3A_69 = vector.shape_cast %reduce_sum3A_68 : vector<2560xf32> to vector<2560x1xf32>
    %mul3A_70 = arith.mulf %div3A_65, %div3A_65 : vector<2560x128xf32>
    %reduce_sum3A_71 = arith.constant dense<0.000000e+00> : vector<2560xf32>
    %reduce_sum3A_72 = vector.multi_reduction <add>, %mul3A_70, %reduce_sum3A_71 [1] : vector<2560x128xf32> to vector<2560xf32>
    %broadcast_in_dim3A_73 = vector.shape_cast %reduce_sum3A_72 : vector<2560xf32> to vector<2560x1xf32>
    %mul3A_74 = arith.mulf %mul3A_36, %div3A_65 : vector<2560x128xf32>
    %reduce_sum3A_75 = arith.constant dense<0.000000e+00> : vector<2560xf32>
    %reduce_sum3A_76 = vector.multi_reduction <add>, %mul3A_74, %reduce_sum3A_75 [1] : vector<2560x128xf32> to vector<2560xf32>
    %broadcast_in_dim3A_77 = vector.shape_cast %reduce_sum3A_76 : vector<2560xf32> to vector<2560x1xf32>
    %mul3A_78 = arith.constant 2.000000e+00 : f32
    %mul3A_79 = vector.broadcast %mul3A_78 : f32 to vector<2560x1xf32>
    %mul3A_80 = arith.mulf %mul3A_79, %broadcast_in_dim3A_77 : vector<2560x1xf32>
    %add3A = arith.constant 1.000000e+00 : f32
    %add3A_81 = vector.broadcast %add3A : f32 to vector<2560x1xf32>
    %add3A_82 = arith.addf %add3A_81, %mul3A_80 : vector<2560x1xf32>
    %add3A_83 = arith.addf %add3A_82, %broadcast_in_dim3A_73 : vector<2560x1xf32>
    %mul3A_84 = vector.broadcast %add3A_83 : vector<2560x1xf32> to vector<2560x128xf32>
    %mul3A_85 = arith.mulf %mul3A_84, %mul3A_36 : vector<2560x128xf32>
    %sub3A_86 = arith.constant 1.000000e+00 : f32
    %sub3A_87 = vector.broadcast %sub3A_86 : f32 to vector<2560x1xf32>
    %sub3A_88 = arith.subf %sub3A_87, %broadcast_in_dim3A_69 : vector<2560x1xf32>
    %mul3A_89 = vector.broadcast %sub3A_88 : vector<2560x1xf32> to vector<2560x128xf32>
    %mul3A_90 = arith.mulf %mul3A_89, %div3A_65 : vector<2560x128xf32>
    %add3A_91 = arith.addf %mul3A_85, %mul3A_90 : vector<2560x128xf32>
    %mul3A_92 = arith.constant 2.000000e+00 : f32
    %mul3A_93 = vector.broadcast %mul3A_92 : f32 to vector<2560x1xf32>
    %mul3A_94 = arith.mulf %mul3A_93, %broadcast_in_dim3A_77 : vector<2560x1xf32>
    %add3A_95 = arith.constant 1.000000e+00 : f32
    %add3A_96 = vector.broadcast %add3A_95 : f32 to vector<2560x1xf32>
    %add3A_97 = arith.addf %add3A_96, %mul3A_94 : vector<2560x1xf32>
    %mul3A_98 = arith.mulf %broadcast_in_dim3A_69, %broadcast_in_dim3A_73 : vector<2560x1xf32>
    %add3A_99 = arith.addf %add3A_97, %mul3A_98 : vector<2560x1xf32>
    %max3A_100 = arith.constant 1.000000e-07 : f32
    %max3A_101 = vector.broadcast %max3A_100 : f32 to vector<2560x1xf32>
    %max3A_102 = arith.maximumf %add3A_99, %max3A_101 : vector<2560x1xf32>
    %div3A_103 = vector.broadcast %max3A_102 : vector<2560x1xf32> to vector<2560x128xf32>
    %div3A_104 = arith.divf %add3A_91, %div3A_103 : vector<2560x128xf32>
    %mul3A_105 = arith.mulf %div3A_104, %div3A_104 : vector<2560x128xf32>
    %reduce_sum3A_106 = arith.constant dense<0.000000e+00> : vector<2560xf32>
    %reduce_sum3A_107 = vector.multi_reduction <add>, %mul3A_105, %reduce_sum3A_106 [1] : vector<2560x128xf32> to vector<2560xf32>
    %broadcast_in_dim3A_108 = vector.shape_cast %reduce_sum3A_107 : vector<2560xf32> to vector<2560x1xf32>
    %jit3A_109 = arith.constant 1.000000e-07 : f32
    %max3A_110 = vector.broadcast %jit3A_109 : f32 to vector<2560x1xf32>
    %max3A_111 = arith.maximumf %max3A_110, %broadcast_in_dim3A_108 : vector<2560x1xf32>
    %sqrt3A_112 = math.sqrt %max3A_111 : vector<2560x1xf32>
    %gt3A_113 = arith.constant 0.999989986 : f32
    %gt3A_114 = vector.broadcast %gt3A_113 : f32 to vector<2560x1xf32>
    %gt3A_115 = arith.cmpf ogt, %sqrt3A_112, %gt3A_114 : vector<2560x1xf32>
    %div3A_116 = arith.constant 0.999989986 : f32
    %div3A_117 = vector.broadcast %div3A_116 : f32 to vector<2560x1xf32>
    %div3A_118 = arith.divf %div3A_117, %sqrt3A_112 : vector<2560x1xf32>
    %jit3A_119 = arith.constant 1.000000e+00 : f32
    %broadcast_in_dim3A_120 = vector.broadcast %jit3A_119 : f32 to vector<2560x1xf32>
    %select_n3A_121 = arith.select %gt3A_115, %div3A_118, %broadcast_in_dim3A_120 : vector<2560x1xi1>, vector<2560x1xf32>
    %mul3A_122 = vector.broadcast %select_n3A_121 : vector<2560x1xf32> to vector<2560x128xf32>
    %mul3A_123 = arith.mulf %div3A_104, %mul3A_122 : vector<2560x128xf32>
    %mul3A_124 = arith.mulf %dot_general3A_14, %dot_general3A_14 : vector<2560x128xf32>
    %reduce_sum3A_125 = arith.constant dense<0.000000e+00> : vector<2560xf32>
    %reduce_sum3A_126 = vector.multi_reduction <add>, %mul3A_124, %reduce_sum3A_125 [1] : vector<2560x128xf32> to vector<2560xf32>
    %broadcast_in_dim3A_127 = vector.shape_cast %reduce_sum3A_126 : vector<2560xf32> to vector<2560x1xf32>
    %jit3A_128 = arith.constant 1.000000e-07 : f32
    %max3A_129 = vector.broadcast %jit3A_128 : f32 to vector<2560x1xf32>
    %max3A_130 = arith.maximumf %max3A_129, %broadcast_in_dim3A_127 : vector<2560x1xf32>
    %sqrt3A_131 = math.sqrt %max3A_130 : vector<2560x1xf32>
    %mul3A_132 = arith.mulf %mul3A_36, %mul3A_36 : vector<2560x128xf32>
    %reduce_sum3A_133 = arith.constant dense<0.000000e+00> : vector<2560xf32>
    %reduce_sum3A_134 = vector.multi_reduction <add>, %mul3A_132, %reduce_sum3A_133 [1] : vector<2560x128xf32> to vector<2560xf32>
    %broadcast_in_dim3A_135 = vector.shape_cast %reduce_sum3A_134 : vector<2560xf32> to vector<2560x1xf32>
    %sub3A_136 = arith.constant 1.000000e+00 : f32
    %sub3A_137 = vector.broadcast %sub3A_136 : f32 to vector<2560x1xf32>
    %sub3A_138 = arith.subf %sub3A_137, %broadcast_in_dim3A_135 : vector<2560x1xf32>
    %jit3A_139 = arith.constant 1.000000e-07 : f32
    %max3A_140 = vector.broadcast %jit3A_139 : f32 to vector<2560x1xf32>
    %max3A_141 = arith.maximumf %max3A_140, %sub3A_138 : vector<2560x1xf32>
    %div3A_142 = arith.constant 2.000000e+00 : f32
    %div3A_143 = vector.broadcast %div3A_142 : f32 to vector<2560x1xf32>
    %div3A_144 = arith.divf %div3A_143, %max3A_141 : vector<2560x1xf32>
    %mul3A_145 = arith.constant 5.000000e-01 : f32
    %mul3A_146 = vector.broadcast %mul3A_145 : f32 to vector<2560x1xf32>
    %mul3A_147 = arith.mulf %mul3A_146, %div3A_144 : vector<2560x1xf32>
    %mul3A_148 = arith.mulf %mul3A_147, %sqrt3A_131 : vector<2560x1xf32>
    %tanh3A_149 = math.tanh %mul3A_148 : vector<2560x1xf32>
    %mul3A_150 = vector.broadcast %tanh3A_149 : vector<2560x1xf32> to vector<2560x128xf32>
    %mul3A_151 = arith.mulf %mul3A_150, %dot_general3A_14 : vector<2560x128xf32>
    %div3A_152 = vector.broadcast %sqrt3A_131 : vector<2560x1xf32> to vector<2560x128xf32>
    %div3A_153 = arith.divf %mul3A_151, %div3A_152 : vector<2560x128xf32>
    %mul3A_154 = arith.mulf %mul3A_36, %mul3A_36 : vector<2560x128xf32>
    %reduce_sum3A_155 = arith.constant dense<0.000000e+00> : vector<2560xf32>
    %reduce_sum3A_156 = vector.multi_reduction <add>, %mul3A_154, %reduce_sum3A_155 [1] : vector<2560x128xf32> to vector<2560xf32>
    %broadcast_in_dim3A_157 = vector.shape_cast %reduce_sum3A_156 : vector<2560xf32> to vector<2560x1xf32>
    %mul3A_158 = arith.mulf %div3A_153, %div3A_153 : vector<2560x128xf32>
    %reduce_sum3A_159 = arith.constant dense<0.000000e+00> : vector<2560xf32>
    %reduce_sum3A_160 = vector.multi_reduction <add>, %mul3A_158, %reduce_sum3A_159 [1] : vector<2560x128xf32> to vector<2560xf32>
    %broadcast_in_dim3A_161 = vector.shape_cast %reduce_sum3A_160 : vector<2560xf32> to vector<2560x1xf32>
    %mul3A_162 = arith.mulf %mul3A_36, %div3A_153 : vector<2560x128xf32>
    %reduce_sum3A_163 = arith.constant dense<0.000000e+00> : vector<2560xf32>
    %reduce_sum3A_164 = vector.multi_reduction <add>, %mul3A_162, %reduce_sum3A_163 [1] : vector<2560x128xf32> to vector<2560xf32>
    %broadcast_in_dim3A_165 = vector.shape_cast %reduce_sum3A_164 : vector<2560xf32> to vector<2560x1xf32>
    %mul3A_166 = arith.constant 2.000000e+00 : f32
    %mul3A_167 = vector.broadcast %mul3A_166 : f32 to vector<2560x1xf32>
    %mul3A_168 = arith.mulf %mul3A_167, %broadcast_in_dim3A_165 : vector<2560x1xf32>
    %add3A_169 = arith.constant 1.000000e+00 : f32
    %add3A_170 = vector.broadcast %add3A_169 : f32 to vector<2560x1xf32>
    %add3A_171 = arith.addf %add3A_170, %mul3A_168 : vector<2560x1xf32>
    %add3A_172 = arith.addf %add3A_171, %broadcast_in_dim3A_161 : vector<2560x1xf32>
    %mul3A_173 = vector.broadcast %add3A_172 : vector<2560x1xf32> to vector<2560x128xf32>
    %mul3A_174 = arith.mulf %mul3A_173, %mul3A_36 : vector<2560x128xf32>
    %sub3A_175 = arith.constant 1.000000e+00 : f32
    %sub3A_176 = vector.broadcast %sub3A_175 : f32 to vector<2560x1xf32>
    %sub3A_177 = arith.subf %sub3A_176, %broadcast_in_dim3A_157 : vector<2560x1xf32>
    %mul3A_178 = vector.broadcast %sub3A_177 : vector<2560x1xf32> to vector<2560x128xf32>
    %mul3A_179 = arith.mulf %mul3A_178, %div3A_153 : vector<2560x128xf32>
    %add3A_180 = arith.addf %mul3A_174, %mul3A_179 : vector<2560x128xf32>
    %mul3A_181 = arith.constant 2.000000e+00 : f32
    %mul3A_182 = vector.broadcast %mul3A_181 : f32 to vector<2560x1xf32>
    %mul3A_183 = arith.mulf %mul3A_182, %broadcast_in_dim3A_165 : vector<2560x1xf32>
    %add3A_184 = arith.constant 1.000000e+00 : f32
    %add3A_185 = vector.broadcast %add3A_184 : f32 to vector<2560x1xf32>
    %add3A_186 = arith.addf %add3A_185, %mul3A_183 : vector<2560x1xf32>
    %mul3A_187 = arith.mulf %broadcast_in_dim3A_157, %broadcast_in_dim3A_161 : vector<2560x1xf32>
    %add3A_188 = arith.addf %add3A_186, %mul3A_187 : vector<2560x1xf32>
    %max3A_189 = arith.constant 1.000000e-07 : f32
    %max3A_190 = vector.broadcast %max3A_189 : f32 to vector<2560x1xf32>
    %max3A_191 = arith.maximumf %add3A_188, %max3A_190 : vector<2560x1xf32>
    %div3A_192 = vector.broadcast %max3A_191 : vector<2560x1xf32> to vector<2560x128xf32>
    %div3A_193 = arith.divf %add3A_180, %div3A_192 : vector<2560x128xf32>
    %mul3A_194 = arith.mulf %div3A_193, %div3A_193 : vector<2560x128xf32>
    %reduce_sum3A_195 = arith.constant dense<0.000000e+00> : vector<2560xf32>
    %reduce_sum3A_196 = vector.multi_reduction <add>, %mul3A_194, %reduce_sum3A_195 [1] : vector<2560x128xf32> to vector<2560xf32>
    %broadcast_in_dim3A_197 = vector.shape_cast %reduce_sum3A_196 : vector<2560xf32> to vector<2560x1xf32>
    %jit3A_198 = arith.constant 1.000000e-07 : f32
    %max3A_199 = vector.broadcast %jit3A_198 : f32 to vector<2560x1xf32>
    %max3A_200 = arith.maximumf %max3A_199, %broadcast_in_dim3A_197 : vector<2560x1xf32>
    %sqrt3A_201 = math.sqrt %max3A_200 : vector<2560x1xf32>
    %gt3A_202 = arith.constant 0.999989986 : f32
    %gt3A_203 = vector.broadcast %gt3A_202 : f32 to vector<2560x1xf32>
    %gt3A_204 = arith.cmpf ogt, %sqrt3A_201, %gt3A_203 : vector<2560x1xf32>
    %div3A_205 = arith.constant 0.999989986 : f32
    %div3A_206 = vector.broadcast %div3A_205 : f32 to vector<2560x1xf32>
    %div3A_207 = arith.divf %div3A_206, %sqrt3A_201 : vector<2560x1xf32>
    %jit3A_208 = arith.constant 1.000000e+00 : f32
    %broadcast_in_dim3A_209 = vector.broadcast %jit3A_208 : f32 to vector<2560x1xf32>
    %select_n3A_210 = arith.select %gt3A_204, %div3A_207, %broadcast_in_dim3A_209 : vector<2560x1xi1>, vector<2560x1xf32>
    %mul3A_211 = vector.broadcast %select_n3A_210 : vector<2560x1xf32> to vector<2560x128xf32>
    %mul3A_212 = arith.mulf %div3A_193, %mul3A_211 : vector<2560x128xf32>
    %mul3A_213 = arith.mulf %mul3A_123, %mul3A_123 : vector<2560x128xf32>
    %reduce_sum3A_214 = arith.constant dense<0.000000e+00> : vector<2560xf32>
    %reduce_sum3A_215 = vector.multi_reduction <add>, %mul3A_213, %reduce_sum3A_214 [1] : vector<2560x128xf32> to vector<2560xf32>
    %broadcast_in_dim3A_216 = vector.shape_cast %reduce_sum3A_215 : vector<2560xf32> to vector<2560x1xf32>
    %mul3A_217 = arith.mulf %mul3A_212, %mul3A_212 : vector<2560x128xf32>
    %reduce_sum3A_218 = arith.constant dense<0.000000e+00> : vector<2560xf32>
    %reduce_sum3A_219 = vector.multi_reduction <add>, %mul3A_217, %reduce_sum3A_218 [1] : vector<2560x128xf32> to vector<2560xf32>
    %broadcast_in_dim3A_220 = vector.shape_cast %reduce_sum3A_219 : vector<2560xf32> to vector<2560x1xf32>
    %mul3A_221 = arith.mulf %mul3A_123, %mul3A_212 : vector<2560x128xf32>
    %reduce_sum3A_222 = arith.constant dense<0.000000e+00> : vector<2560xf32>
    %reduce_sum3A_223 = vector.multi_reduction <add>, %mul3A_221, %reduce_sum3A_222 [1] : vector<2560x128xf32> to vector<2560xf32>
    %broadcast_in_dim3A_224 = vector.shape_cast %reduce_sum3A_223 : vector<2560xf32> to vector<2560x1xf32>
    %mul3A_225 = arith.constant 2.000000e+00 : f32
    %mul3A_226 = vector.broadcast %mul3A_225 : f32 to vector<2560x1xf32>
    %mul3A_227 = arith.mulf %mul3A_226, %broadcast_in_dim3A_224 : vector<2560x1xf32>
    %add3A_228 = arith.constant 1.000000e+00 : f32
    %add3A_229 = vector.broadcast %add3A_228 : f32 to vector<2560x1xf32>
    %add3A_230 = arith.addf %add3A_229, %mul3A_227 : vector<2560x1xf32>
    %add3A_231 = arith.addf %add3A_230, %broadcast_in_dim3A_220 : vector<2560x1xf32>
    %mul3A_232 = vector.broadcast %add3A_231 : vector<2560x1xf32> to vector<2560x128xf32>
    %mul3A_233 = arith.mulf %mul3A_232, %mul3A_123 : vector<2560x128xf32>
    %sub3A_234 = arith.constant 1.000000e+00 : f32
    %sub3A_235 = vector.broadcast %sub3A_234 : f32 to vector<2560x1xf32>
    %sub3A_236 = arith.subf %sub3A_235, %broadcast_in_dim3A_216 : vector<2560x1xf32>
    %mul3A_237 = vector.broadcast %sub3A_236 : vector<2560x1xf32> to vector<2560x128xf32>
    %mul3A_238 = arith.mulf %mul3A_237, %mul3A_212 : vector<2560x128xf32>
    %add3A_239 = arith.addf %mul3A_233, %mul3A_238 : vector<2560x128xf32>
    %mul3A_240 = arith.constant 2.000000e+00 : f32
    %mul3A_241 = vector.broadcast %mul3A_240 : f32 to vector<2560x1xf32>
    %mul3A_242 = arith.mulf %mul3A_241, %broadcast_in_dim3A_224 : vector<2560x1xf32>
    %add3A_243 = arith.constant 1.000000e+00 : f32
    %add3A_244 = vector.broadcast %add3A_243 : f32 to vector<2560x1xf32>
    %add3A_245 = arith.addf %add3A_244, %mul3A_242 : vector<2560x1xf32>
    %mul3A_246 = arith.mulf %broadcast_in_dim3A_216, %broadcast_in_dim3A_220 : vector<2560x1xf32>
    %add3A_247 = arith.addf %add3A_245, %mul3A_246 : vector<2560x1xf32>
    %max3A_248 = arith.constant 1.000000e-07 : f32
    %max3A_249 = vector.broadcast %max3A_248 : f32 to vector<2560x1xf32>
    %max3A_250 = arith.maximumf %add3A_247, %max3A_249 : vector<2560x1xf32>
    %div3A_251 = vector.broadcast %max3A_250 : vector<2560x1xf32> to vector<2560x128xf32>
    %div3A_252 = arith.divf %add3A_239, %div3A_251 : vector<2560x128xf32>
    %mul3A_253 = arith.mulf %div3A_252, %div3A_252 : vector<2560x128xf32>
    %reduce_sum3A_254 = arith.constant dense<0.000000e+00> : vector<2560xf32>
    %reduce_sum3A_255 = vector.multi_reduction <add>, %mul3A_253, %reduce_sum3A_254 [1] : vector<2560x128xf32> to vector<2560xf32>
    %broadcast_in_dim3A_256 = vector.shape_cast %reduce_sum3A_255 : vector<2560xf32> to vector<2560x1xf32>
    %jit3A_257 = arith.constant 1.000000e-07 : f32
    %max3A_258 = vector.broadcast %jit3A_257 : f32 to vector<2560x1xf32>
    %max3A_259 = arith.maximumf %max3A_258, %broadcast_in_dim3A_256 : vector<2560x1xf32>
    %sqrt3A_260 = math.sqrt %max3A_259 : vector<2560x1xf32>
    %gt3A_261 = arith.constant 0.999989986 : f32
    %gt3A_262 = vector.broadcast %gt3A_261 : f32 to vector<2560x1xf32>
    %gt3A_263 = arith.cmpf ogt, %sqrt3A_260, %gt3A_262 : vector<2560x1xf32>
    %div3A_264 = arith.constant 0.999989986 : f32
    %div3A_265 = vector.broadcast %div3A_264 : f32 to vector<2560x1xf32>
    %div3A_266 = arith.divf %div3A_265, %sqrt3A_260 : vector<2560x1xf32>
    %jit3A_267 = arith.constant 1.000000e+00 : f32
    %broadcast_in_dim3A_268 = vector.broadcast %jit3A_267 : f32 to vector<2560x1xf32>
    %select_n3A_269 = arith.select %gt3A_263, %div3A_266, %broadcast_in_dim3A_268 : vector<2560x1xi1>, vector<2560x1xf32>
    %mul3A_270 = vector.broadcast %select_n3A_269 : vector<2560x1xf32> to vector<2560x128xf32>
    %mul3A_271 = arith.mulf %div3A_252, %mul3A_270 : vector<2560x128xf32>
    %neg3A = arith.constant 0.000000e+00 : f32
    %neg3A_272 = vector.broadcast %neg3A : f32 to vector<2560x128xf32>
    %neg3A_273 = arith.subf %neg3A_272, %mul3A_36 : vector<2560x128xf32>
    %mul3A_274 = arith.mulf %neg3A_273, %neg3A_273 : vector<2560x128xf32>
    %reduce_sum3A_275 = arith.constant dense<0.000000e+00> : vector<2560xf32>
    %reduce_sum3A_276 = vector.multi_reduction <add>, %mul3A_274, %reduce_sum3A_275 [1] : vector<2560x128xf32> to vector<2560xf32>
    %broadcast_in_dim3A_277 = vector.shape_cast %reduce_sum3A_276 : vector<2560xf32> to vector<2560x1xf32>
    %mul3A_278 = arith.mulf %mul3A_271, %mul3A_271 : vector<2560x128xf32>
    %reduce_sum3A_279 = arith.constant dense<0.000000e+00> : vector<2560xf32>
    %reduce_sum3A_280 = vector.multi_reduction <add>, %mul3A_278, %reduce_sum3A_279 [1] : vector<2560x128xf32> to vector<2560xf32>
    %broadcast_in_dim3A_281 = vector.shape_cast %reduce_sum3A_280 : vector<2560xf32> to vector<2560x1xf32>
    %mul3A_282 = arith.mulf %neg3A_273, %mul3A_271 : vector<2560x128xf32>
    %reduce_sum3A_283 = arith.constant dense<0.000000e+00> : vector<2560xf32>
    %reduce_sum3A_284 = vector.multi_reduction <add>, %mul3A_282, %reduce_sum3A_283 [1] : vector<2560x128xf32> to vector<2560xf32>
    %broadcast_in_dim3A_285 = vector.shape_cast %reduce_sum3A_284 : vector<2560xf32> to vector<2560x1xf32>
    %mul3A_286 = arith.constant 2.000000e+00 : f32
    %mul3A_287 = vector.broadcast %mul3A_286 : f32 to vector<2560x1xf32>
    %mul3A_288 = arith.mulf %mul3A_287, %broadcast_in_dim3A_285 : vector<2560x1xf32>
    %add3A_289 = arith.constant 1.000000e+00 : f32
    %add3A_290 = vector.broadcast %add3A_289 : f32 to vector<2560x1xf32>
    %add3A_291 = arith.addf %add3A_290, %mul3A_288 : vector<2560x1xf32>
    %add3A_292 = arith.addf %add3A_291, %broadcast_in_dim3A_281 : vector<2560x1xf32>
    %mul3A_293 = vector.broadcast %add3A_292 : vector<2560x1xf32> to vector<2560x128xf32>
    %mul3A_294 = arith.mulf %mul3A_293, %neg3A_273 : vector<2560x128xf32>
    %sub3A_295 = arith.constant 1.000000e+00 : f32
    %sub3A_296 = vector.broadcast %sub3A_295 : f32 to vector<2560x1xf32>
    %sub3A_297 = arith.subf %sub3A_296, %broadcast_in_dim3A_277 : vector<2560x1xf32>
    %mul3A_298 = vector.broadcast %sub3A_297 : vector<2560x1xf32> to vector<2560x128xf32>
    %mul3A_299 = arith.mulf %mul3A_298, %mul3A_271 : vector<2560x128xf32>
    %add3A_300 = arith.addf %mul3A_294, %mul3A_299 : vector<2560x128xf32>
    %mul3A_301 = arith.constant 2.000000e+00 : f32
    %mul3A_302 = vector.broadcast %mul3A_301 : f32 to vector<2560x1xf32>
    %mul3A_303 = arith.mulf %mul3A_302, %broadcast_in_dim3A_285 : vector<2560x1xf32>
    %add3A_304 = arith.constant 1.000000e+00 : f32
    %add3A_305 = vector.broadcast %add3A_304 : f32 to vector<2560x1xf32>
    %add3A_306 = arith.addf %add3A_305, %mul3A_303 : vector<2560x1xf32>
    %mul3A_307 = arith.mulf %broadcast_in_dim3A_277, %broadcast_in_dim3A_281 : vector<2560x1xf32>
    %add3A_308 = arith.addf %add3A_306, %mul3A_307 : vector<2560x1xf32>
    %max3A_309 = arith.constant 1.000000e-07 : f32
    %max3A_310 = vector.broadcast %max3A_309 : f32 to vector<2560x1xf32>
    %max3A_311 = arith.maximumf %add3A_308, %max3A_310 : vector<2560x1xf32>
    %div3A_312 = vector.broadcast %max3A_311 : vector<2560x1xf32> to vector<2560x128xf32>
    %div3A_313 = arith.divf %add3A_300, %div3A_312 : vector<2560x128xf32>
    %mul3A_314 = arith.mulf %div3A_313, %div3A_313 : vector<2560x128xf32>
    %reduce_sum3A_315 = arith.constant dense<0.000000e+00> : vector<2560xf32>
    %reduce_sum3A_316 = vector.multi_reduction <add>, %mul3A_314, %reduce_sum3A_315 [1] : vector<2560x128xf32> to vector<2560xf32>
    %broadcast_in_dim3A_317 = vector.shape_cast %reduce_sum3A_316 : vector<2560xf32> to vector<2560x1xf32>
    %jit3A_318 = arith.constant 1.000000e-07 : f32
    %max3A_319 = vector.broadcast %jit3A_318 : f32 to vector<2560x1xf32>
    %max3A_320 = arith.maximumf %max3A_319, %broadcast_in_dim3A_317 : vector<2560x1xf32>
    %sqrt3A_321 = math.sqrt %max3A_320 : vector<2560x1xf32>
    %mul3A_322 = arith.mulf %mul3A_36, %mul3A_36 : vector<2560x128xf32>
    %reduce_sum3A_323 = arith.constant dense<0.000000e+00> : vector<2560xf32>
    %reduce_sum3A_324 = vector.multi_reduction <add>, %mul3A_322, %reduce_sum3A_323 [1] : vector<2560x128xf32> to vector<2560xf32>
    %broadcast_in_dim3A_325 = vector.shape_cast %reduce_sum3A_324 : vector<2560xf32> to vector<2560x1xf32>
    %sub3A_326 = arith.constant 1.000000e+00 : f32
    %sub3A_327 = vector.broadcast %sub3A_326 : f32 to vector<2560x1xf32>
    %sub3A_328 = arith.subf %sub3A_327, %broadcast_in_dim3A_325 : vector<2560x1xf32>
    %jit3A_329 = arith.constant 1.000000e-07 : f32
    %max3A_330 = vector.broadcast %jit3A_329 : f32 to vector<2560x1xf32>
    %max3A_331 = arith.maximumf %max3A_330, %sub3A_328 : vector<2560x1xf32>
    %div3A_332 = arith.constant 2.000000e+00 : f32
    %div3A_333 = vector.broadcast %div3A_332 : f32 to vector<2560x1xf32>
    %div3A_334 = arith.divf %div3A_333, %max3A_331 : vector<2560x1xf32>
    %div3A_335 = arith.constant 2.000000e+00 : f32
    %div3A_336 = vector.broadcast %div3A_335 : f32 to vector<2560x1xf32>
    %div3A_337 = arith.divf %div3A_336, %div3A_334 : vector<2560x1xf32>
    %jit3A_338 = arith.constant -0.99999988 : f32
    %jit3A_339 = arith.constant 0.99999988 : f32
    %max3A_340 = vector.broadcast %jit3A_338 : f32 to vector<2560x1xf32>
    %max3A_341 = arith.maximumf %max3A_340, %sqrt3A_321 : vector<2560x1xf32>
    %min3A = vector.broadcast %jit3A_339 : f32 to vector<2560x1xf32>
    %min3A_342 = arith.minimumf %min3A, %max3A_341 : vector<2560x1xf32>
    %log1p3A = math.log1p %min3A_342 : vector<2560x1xf32>
    %neg3A_343 = arith.constant 0.000000e+00 : f32
    %neg3A_344 = vector.broadcast %neg3A_343 : f32 to vector<2560x1xf32>
    %neg3A_345 = arith.subf %neg3A_344, %min3A_342 : vector<2560x1xf32>
    %log1p3A_346 = math.log1p %neg3A_345 : vector<2560x1xf32>
    %sub3A_347 = arith.subf %log1p3A, %log1p3A_346 : vector<2560x1xf32>
    %mul3A_348 = arith.constant 5.000000e-01 : f32
    %mul3A_349 = vector.broadcast %mul3A_348 : f32 to vector<2560x1xf32>
    %mul3A_350 = arith.mulf %mul3A_349, %sub3A_347 : vector<2560x1xf32>
    %mul3A_351 = arith.mulf %div3A_337, %mul3A_350 : vector<2560x1xf32>
    %mul3A_352 = vector.broadcast %mul3A_351 : vector<2560x1xf32> to vector<2560x128xf32>
    %mul3A_353 = arith.mulf %mul3A_352, %div3A_313 : vector<2560x128xf32>
    %div3A_354 = vector.broadcast %sqrt3A_321 : vector<2560x1xf32> to vector<2560x128xf32>
    %div3A_355 = arith.divf %mul3A_353, %div3A_354 : vector<2560x128xf32>
    %swap3A = arith.constant 0 : index
    %swap3A_356 = arith.constant 0 : index
    %swap3A_357 = vector.load %arg5[%swap3A, %swap3A_356] : memref<2560x128xf32, #tpu.memory_space<vmem>>, vector<2560x128xf32>
    tpu.vector_store %arg5[%swap3A, %swap3A_356], %div3A_355 {strides = array<i32>} : memref<2560x128xf32, #tpu.memory_space<vmem>>, vector<2560x128xf32>,
    return
  }
  func.func @transform_0(%arg0: i32) -> (i32, i32) {
    %c0_i32 = arith.constant 0 : i32
    %c0_i32_0 = arith.constant 0 : i32
    return %arg0, %c0_i32 : i32, i32
  }
  func.func @transform_1(%arg0: i32) -> (i32, i32) {
    %c0_i32 = arith.constant 0 : i32
    %c0_i32_0 = arith.constant 0 : i32
    return %arg0, %c0_i32 : i32, i32
  }
  func.func @transform_2(%arg0: i32) -> (i32, i32) {
    %c0_i32 = arith.constant 0 : i32
    %c0_i32_0 = arith.constant 0 : i32
    return %arg0, %c0_i32 : i32, i32
  }
  func.func @transform_3(%arg0: i32) -> (i32, i32) {
    %c0_i32 = arith.constant 0 : i32
    %c0_i32_0 = arith.constant 0 : i32
    %c0_i32_1 = arith.constant 0 : i32
    return %c0_i32, %c0_i32_0 : i32, i32
  }
  func.func @transform_4(%arg0: i32) -> (i32, i32) {
    %c0_i32 = arith.constant 0 : i32
    %c0_i32_0 = arith.constant 0 : i32
    return %arg0, %c0_i32 : i32, i32
  }
}

module attributes {stable_mosaic.version = 14 : i64} {
  func.func @_divide_body(%arg0: i32, %arg1: memref<2000x128xf32, #tpu.memory_space<vmem>>, %arg2: memref<2000x16xf32, #tpu.memory_space<vmem>>, %arg3: memref<2000x128xf32, #tpu.memory_space<vmem>>) attributes {dimension_semantics = [#tpu.dimension_semantics<arbitrary>], iteration_bounds = array<i64: 5>, scalar_prefetch = 0 : i64, scratch_operands = 0 : i64, tpu.core_type = #tpu.core_type<tc>, window_params = [{transform_indices = @transform_0, window_bounds = array<i64: 2000, 128>}, {transform_indices = @transform_1, window_bounds = array<i64: 2000, 16>}, {transform_indices = @transform_2, window_bounds = array<i64: 2000, 128>}]} {
    %get3A = arith.constant 0 : index
    %get3A_0 = arith.constant 0 : index
    %get3A_1 = vector.load %arg1[%get3A, %get3A_0] : memref<2000x128xf32, #tpu.memory_space<vmem>>, vector<2000x128xf32>
    %get3A_2 = arith.constant 0 : index
    %get3A_3 = arith.constant 0 : index
    %get3A_4 = vector.load %arg2[%get3A_2, %get3A_3] : memref<2000x16xf32, #tpu.memory_space<vmem>>, vector<2000x1xf32>
    %max3A = arith.constant 1.000000e+00 : f32
    %max3A_5 = vector.broadcast %max3A : f32 to vector<2000x1xf32>
    %max3A_6 = arith.maximumf %get3A_4, %max3A_5 : vector<2000x1xf32>
    %div3A = vector.broadcast %max3A_6 : vector<2000x1xf32> to vector<2000x128xf32>
    %div3A_7 = arith.divf %get3A_1, %div3A : vector<2000x128xf32>
    %swap3A = arith.constant 0 : index
    %swap3A_8 = arith.constant 0 : index
    %swap3A_9 = vector.load %arg3[%swap3A, %swap3A_8] : memref<2000x128xf32, #tpu.memory_space<vmem>>, vector<2000x128xf32>
    tpu.vector_store %arg3[%swap3A, %swap3A_8], %div3A_7 {strides = array<i32>} : memref<2000x128xf32, #tpu.memory_space<vmem>>, vector<2000x128xf32>,
    return
  }
  func.func @transform_0(%arg0: i32) -> (i32, i32) {
    %c0_i32 = arith.constant 0 : i32
    %c0_i32_0 = arith.constant 0 : i32
    return %arg0, %c0_i32 : i32, i32
  }
  func.func @transform_1(%arg0: i32) -> (i32, i32) {
    %c0_i32 = arith.constant 0 : i32
    %c0_i32_0 = arith.constant 0 : i32
    return %arg0, %c0_i32 : i32, i32
  }
  func.func @transform_2(%arg0: i32) -> (i32, i32) {
    %c0_i32 = arith.constant 0 : i32
    %c0_i32_0 = arith.constant 0 : i32
    return %arg0, %c0_i32 : i32, i32
  }
}

</mosaic_0001>

<sc_bundles>
// kernel: _run.6.cloned.1.call-start
scs
__scs_entry_jumppad:
0x0: {  	(pc) =	sbr.rel $0x88, $3  }
0x1: {  	(tag) =	ssettag $0x0;
	lr =	simm.s32 $0x1  }
0x2: {  	[smem:$0x3F9D] =	sst lr;
	_ =	strace $0xD0000000  }
0x3: {  	_ = 	snop  }
0x4: {  	_ = 	snop  }
0x5: {  	_ = 	snop  }
0x6: {  	_ = 	snop  }
0x7: {  	_ = 	snop  }
__scs_overlays_trampoline_lowered:
0x8: {  	[smem:$0x3FAC] =	sst s0  }
0x9: {  	[smem:$0x3FAD] =	sst s1  }
0xa: {  	[smem:$0x3FAE] =	sst s2  }
0xb: {  	[smem:$0x3FAF] =	sst s3  }
0xc: {  	[smem:$0x3FB0] =	sst s4  }
0xd: {  	[smem:$0x3FB1] =	sst s5  }
0xe: {  	[smem:$0x3FB2] =	sst s6  }
0xf: {  	[smem:$0x3FB3] =	sst s7  }
0x10: {  	[smem:$0x3FB4] =	sst s8  }
0x11: {  	[smem:$0x3FB5] =	sst s9;
	s0 =	simm.s32 @!p0 $0x0  }
0x12: {  	s1 =	sld [smem:$0x3F9B];
	s0 =	simm.s32 @p0 $0x1  }
0x13: {  	[smem:$0x3FB6] =	sst s0;
	s0 =	simm.s32 @!p1 $0x0  }
0x14: {  	s2 =	sld [smem:$0x3F9A];
	s0 =	simm.s32 @p1 $0x1  }
0x15: {  	[smem:$0x3FB7] =	sst s0;
	s0 =	simm.s32 @!p2 $0x0  }
0x16: {  	s3 =	sld [smem:$0x3FDB];
	s0 =	simm.s32 @p2 $0x1  }
0x17: {  	s4 =	simm.s32 $0x1BF5;
	[smem:$0x3FB9] =	sst s0  }
0x18: {  	s0 =	sld [smem:$0x3F9C];
	_ =	swait.ge [sflag:s4], $0x0  }
0x19: {  	s7 =	sld [smem:$0x3F9D]  }
0x1a: {  	s8 =	sadd.s32 $0xFFFFE003, lr  }
0x1b: {  	s9 =	sadd.s32 $0xFFFFFEF7, lr;
	s5 =	simm.s32 $0xFFFFFFFF;
	p2 =	slt.u32 s8, $0xFFFFF086  }
0x1c: {  	p1 =	slt.u32 s9, $0xF7A;
	s5 =	simm.s32 @!p2 $0x0  }
0x1d: {  	s5 =	simm.s32 @p1 $0x1;
	p0 =	seq.s32 s7, s2  }
0x1e: {  	s7 =	smul.u32 @!p0 $0xF7A, s2;
	p2 =	seq.s32 @!p0 s5, $0x0  }
0x1f: {  	s9 =	smul.u32 $0xF7A, s1;
	s8 =	simm.s32 @!p0 $0x1BF5;
	p2 =	por !p2, p0  }
0x20: {  	[sflag:s8] =	ssyncset.s32 @!p0 $0xFFFFF086;
	s6 =	sadd.s32 @!p0 s3, s7;
	s7 =	simm.s32 @!p0 $0x108  }
0x21: {  	s3 =	sadd.s32 s3, s9;
	s6 =	sadd.s32 @!p0 $0x88, s6;
	s7 =	simm.s32 @p2 $0x1082  }
0x22: {  	[simem:s7], [sflag:s8] =	dma.local @!p0 [hbm:s6], $0xF7A  }
0x23: {  	s9 =	sor.u32 $0xD0000000, s2;
	s6 =	simm.s32 $0x108;
	_ =	swait.ge @!p0 [sflag:s8], $0x0  }
0x24: {  	s3 =	sadd.s32 $0x88, s3;
	s6 =	simm.s32 @!p1 $0x1082;
	[sflag:s4] =	ssyncset.s32 $0xFFFFF086  }
0x25: {  	[simem:s6], [sflag:s4] =	dma.local [hbm:s3], $0xF7A  }
0x26: {  	[smem:$0x3F9D] =	sst s1;
	(tag) =	ssettag s2;
	_ =	strace s9  }
0x27: {  	s1 =	sld [smem:$0x3FAD]  }
0x28: {  	s2 =	sld [smem:$0x3FAE]  }
0x29: {  	s4 =	sld [smem:$0x3FB0]  }
0x2a: {  	p0 =	seq.s32 s5, $0x0;
	s5 =	sld [smem:$0x3FB1]  }
0x2b: {  	s6 =	sld [smem:$0x3FB2]  }
0x2c: {  	s7 =	sld [smem:$0x3FB3]  }
0x2d: {  	s3 =	simm.s32 $0x108;
	s8 =	sld [smem:$0x3FB4]  }
0x2e: {  	s3 =	simm.s32 @!p0 $0x1082;
	s9 =	sld [smem:$0x3FB5]  }
0x2f: {  	lr =	sadd.s32 s0, s3;
	s0 =	sld [smem:$0x3FAC]  }
0x30: {  	s3 =	sld [smem:$0x3FAF]  }
0x31: {  	[smem:$0x3FB8] =	sst s10  }
0x32: {  	s10 =	sld [smem:$0x3FB6];
	_ =	sdelay $0x3  }
0x33: {  	p0 =	seq.s32 s10, $0x1;
	s10 =	sld [smem:$0x3FB8];
	_ =	sdelay $0x3  }
0x34: {  	[smem:$0x3FB8] =	sst s10  }
0x35: {  	s10 =	sld [smem:$0x3FB7];
	_ =	sdelay $0x3  }
0x36: {  	p1 =	seq.s32 s10, $0x1;
	s10 =	sld [smem:$0x3FB8];
	_ =	sdelay $0x3  }
0x37: {  	[smem:$0x3FB8] =	sst s10  }
0x38: {  	s10 =	sld [smem:$0x3FB9]  }
0x39: {  	_ = 	snop;
	(pc) =	sbr.ind lr, $3  }
0x3a: {  	_ = 	snop  }
0x3b: {  	_ = 	snop  }
0x3c: {  	p2 =	seq.s32 s10, $0x1;
	s10 =	sld [smem:$0x3FB8]  }
0x3d: {  	_ =	shalt  }
0x3e: {  	_ =	shalt  }
0x3f: {  	_ =	shalt  }
0x40: {  	_ =	shalt  }
0x41: {  	_ =	shalt  }
0x42: {  	_ =	shalt  }
0x43: {  	_ =	shalt  }
0x44: {  	_ =	shalt  }
0x45: {  	_ =	shalt  }
0x46: {  	_ =	shalt  }
0x47: {  	_ =	shalt  }
0x48: {  	_ =	shalt  }
0x49: {  	_ =	shalt  }
0x4a: {  	_ =	shalt  }
0x4b: {  	_ =	shalt  }
0x4c: {  	_ =	shalt  }
0x4d: {  	_ =	shalt  }
0x4e: {  	_ =	shalt  }
0x4f: {  	_ =	shalt  }
0x50: {  	_ =	shalt  }
0x51: {  	_ =	shalt  }
0x52: {  	_ =	shalt  }
0x53: {  	_ =	shalt  }
0x54: {  	_ =	shalt  }
0x55: {  	_ =	shalt  }
0x56: {  	_ =	shalt  }
0x57: {  	_ =	shalt  }
0x58: {  	_ =	shalt  }
0x59: {  	_ =	shalt  }
0x5a: {  	_ =	shalt  }
0x5b: {  	_ =	shalt  }
0x5c: {  	_ =	shalt  }
0x5d: {  	_ =	shalt  }
0x5e: {  	_ =	shalt  }
0x5f: {  	_ =	shalt  }
0x60: {  	_ =	shalt  }
0x61: {  	_ =	shalt  }
0x62: {  	_ =	shalt  }
0x63: {  	_ =	shalt  }
0x64: {  	_ =	shalt  }
0x65: {  	_ =	shalt  }
0x66: {  	_ =	shalt  }
0x67: {  	_ =	shalt  }
0x68: {  	_ =	shalt  }
0x69: {  	_ =	shalt  }
0x6a: {  	_ =	shalt  }
0x6b: {  	_ =	shalt  }
0x6c: {  	_ =	shalt  }
0x6d: {  	_ =	shalt  }
0x6e: {  	_ =	shalt  }
0x6f: {  	_ =	shalt  }
0x70: {  	_ =	shalt  }
0x71: {  	_ =	shalt  }
0x72: {  	_ =	shalt  }
0x73: {  	_ =	shalt  }
0x74: {  	_ =	shalt  }
0x75: {  	_ =	shalt  }
0x76: {  	_ =	shalt  }
0x77: {  	_ =	shalt  }
0x78: {  	_ =	shalt  }
0x79: {  	_ =	shalt  }
0x7a: {  	_ =	shalt  }
0x7b: {  	_ =	shalt  }
0x7c: {  	_ =	shalt  }
0x7d: {  	_ =	shalt  }
0x7e: {  	_ =	shalt  }
0x7f: {  	_ =	shalt  }
0x80: {  	_ =	shalt  }
0x81: {  	_ =	shalt  }
0x82: {  	_ =	shalt  }
0x83: {  	_ =	shalt  }
0x84: {  	_ =	shalt  }
0x85: {  	_ =	shalt  }
0x86: {  	_ =	shalt  }
0x87: {  	_ =	shalt  }
.Lfunc_end0:
.L_simem_size_0:
called_computation_lowered:
.L_overlay_start_0:
0x88: {  	s2 =	sld [smem:$0x3FD9]  }
0x89: {  	s3 =	sld [smem:$0x3FFE];
	_ =	sdelay $0x1  }
0x8a: {  	s1 =	srdreg.scid  }
0x8b: {  	s0 =	sand.u32 $0x1, s1  }
0x8c: {  	s17 =	sshll.u32 s0, $0xA;
	s2 =	sadd.s32 s3, s2  }
0x8d: {  	s2 =	sadd.s32 s2, s17  }
0x8e: {  	[smem:$0x3FC4] =	sst s2  }
0x8f: {  	_ = 	snop  }
0x90: {  	s2 =	sld [smem:$0x3FC9]  }
0x91: {  	s18 =	sld [smem:$0x3FD0];
	(tm) =	ssettm $0x1  }
0x92: {  	s4 =	sld [smem:$0x3FFB];
	_ =	sdelay $0x3  }
0x93: {  	_ =	strace s4  }
0x94: {  	s4 =	sld [smem:$0x3FFC];
	_ =	sdelay $0x3  }
0x95: {  	_ =	strace s4  }
0x96: {  	s4 =	sld [smem:$0x3FFD];
	_ =	sdelay $0x3  }
0x97: {  	_ =	strace s4  }
0x98: {  	_ =	strace $0x8FFFFFFF  }
0x99: {  	s19 =	sld [smem:$0x3FDB];
	_ =	sdelay $0x1  }
0x9a: {  	s5 =	simm.s32 $_scs_section_size  }
0x9b: {  	s6 =	simm.s32 $_size__tile_overlayer_lowered;
	s7 =	simm.s32 $_tile_overlayer_lowered  }
0x9c: {  	s22 =	simm.s32 $0x1BFF;
	s21 =	sshll.u32 s7, $0x1;
	s4 =	sadd.s32 s5, s19  }
0x9d: {  	s8 =	simm.s32 $0x0;
	s20 =	sshll.u32 s6, $0x1;
	s6 =	sadd.s32 s21, s4  }
0x9e: {  	[timem:s8], [sflag:s22] =	dma.local [hbm:s6], s20  }
0x9f: {  	_ =	swait.ge [sflag:s22], s20  }
0xa0: {  	s5 =	ssub.s32 $0x0, s20;
	[sflag:s22] =	ssyncset.done $0x0  }
0xa1: {  	[sflag:s22] =	ssyncadd.s32 s5;
	_ =	sdelay $0x1  }
0xa2: {  	s23 =	simm.s32 $0x1B8B  }
0xa3: {  	_ =	swait.ge [sflag:s23], $0x1  }
0xa4: {  	[sflag:s23] =	ssyncset.done $0x0  }
0xa5: {  	s25 =	simm.s32 $0x1B8E;
	s24 =	sld [smem:$0x3FFE];
	[sflag:s23] =	ssyncadd.s32 $0xFFFFFFFF  }
0xa6: {  	s26 =	simm.s32 $execute0_lowered;
	[smem:$0x3FD2] =	sst s25  }
0xa7: {  	s6 =	sshll.u32 s26, $0x1;
	_ =	strace $0x80000046;
	[dreg:$0x1] =	wrdreg $0xFFFFFFFF  }
0xa8: {  	s28 =	simm.s32 $_size_execute0_lowered;
	s4 =	sadd.s32 s4, s6;
	[dreg:$0x0] =	wrdreg $0x0  }
0xa9: {  	s6 =	sshll.u32 s28, $0x1;
	[dreg:$0x2] =	wrdreg s4  }
0xaa: {  	[dreg:$0x3] =	wrdreg s6  }
0xab: {  	[dreg:$0x4] =	wrdreg $0xC0  }
0xac: {  	_ =	task [dreg:s8], $0x5FFFF  }
0xad: {  	[dreg:$0x1] =	wrdreg $0xFFFFFFFF  }
0xae: {  	[dreg:$0x0] =	wrdreg $0x60  }
0xaf: {  	[dreg:$0x2] =	wrdreg s2  }
0xb0: {  	[dreg:$0x3] =	wrdreg s24  }
0xb1: {  	[dreg:$0x4] =	wrdreg s18  }
0xb2: {  	[dreg:$0x5] =	wrdreg $0x9  }
0xb3: {  	_ =	task.clear_ibuf [dreg:s8], $0x6FFFF;
	_ =	strace $0x90000046  }
0xb4: {  	s29 =	simm.s32 $0x9;
	_ =	strace $0x80000048  }
0xb5: {  	_ =	swait.ge [sflag:s29], $0x1  }
0xb6: {  	[sflag:s29] =	ssyncadd.s32 $0xFFFFFFFF  }
0xb7: {  	_ =	strace $0x90000048  }
0xb8: {  	_ =	sfence  }
0xb9: {  	s30 =	sld [smem:$0x0];
	_ =	sdelay $0x2  }
0xba: {  	s31 =	sshll.u32 s1, $0xD;
	s1 =	sshrl.u32 s1, $0x2  }
0xbb: {  	s3 =	sand.u32 $0x4000, s31;
	s1 =	sadd.s32 s1, s30  }
0xbc: {  	s0 =	sor.u32 s3, s0;
	s1 =	sshll.u32 s1, $0x11  }
0xbd: {  	s0 =	sor.u32 s1, s0  }
0xbe: {  	s0 =	sadd.s32 $0x8F2B, s0  }
0xbf: {  	[sflag:s0] =	ssyncadd.remote.s32 $0x1  }
0xc0: {  	_ =	sfence.sel $0xFFFF  }
0xc1: {  	[dreg:$0x0] =	wrdreg $0xFFFFFFFF;
	(pc) =	sbr.abs _section_cstart, $3  }
0xc2: {  	[dreg:$0x1] =	wrdreg $0xFFFFFFFF  }
0xc3: {  	_ =	task.clear_ibuf [dreg:s8], $0x2FFFF;
	_ =	strace $0x9FFFFFFF  }
0xc4: {  	(tm) =	ssettm $0x7FFFFFFF  }
0xc5: {  	_ =	shalt  }
tec
execute0_lowered:
.L_overlay_start_1:
0x0: {  	(tag) =	ssettag $0x1  }
0x1: {  	s2 =	rddreg [dreg:$0x0]  }
0x2: {  	s4 =	rddreg [dreg:$0x1]  }
0x3: {  	s6 =	rddreg [dreg:$0x2]  }
0x4: {  	s0 =	rddreg [dreg:$0x3]  }
0x5: {  	s1 =	stileid.u32;
	s5 =	srdreg.scid  }
0x6: {  	s3 =	simm.s32 $0x0;
	s13 =	simm.s32 $0xA0;
	s14 =	simm.s32 $0x5190  }
0x7: {  	s15 =	simm.s32 $0xF0;
	s16 =	simm.s32 $0x7990;
	s17 =	simm.s32 $0x140  }
0x8: {  	s18 =	simm.s32 $0xA190;
	s19 =	simm.s32 $0x1;
	s7 =	smul.u32 $0x9C4, s1  }
0x9: {  	s20 =	simm.s32 $0x0;
	s5 =	sand.u32 $0x1, s5;
	s8 =	smul.u32 $0x4E200, s1  }
0xa: {  	[smem:$0x7FF] =	sst s3;
	s9 =	ssub.s32 $0x2, s5;
	s11 =	smul.u32 $0x4E2, s5  }
0xb: {  	_ =	strace $0x80000047;
	s30 =	smul.u32 $0x27100, s5;
	s10 =	sshrl.u32 s9, $0x1  }
0xc: {  	s12 =	sadd.s32 s7, s4;
	s8 =	sadd.s32 s8, s4;
	s7 =	sadd.s32 s7, s6  }
0xd: {  	s9 =	ssub.s32 s9, s10;
	s31 =	sadd.s32 s11, s12;
	s8 =	sadd.s32 s30, s8  }
0xe: {  	s7 =	sadd.s32 s11, s7;
	s10 =	simm.s32 $0x50;
	s11 =	simm.s32 $0x190  }
0xf: {  	s12 =	simm.s32 $0x2990;
	s4 =	smax.u32 s9, $0x1;
	s5 =	sadd.s32 $0xE00, s31  }
0x10: {  	s6 =	sadd.s32 $0xAC00, s8;
	s8 =	sadd.s32 $0x4ECC00, s8;
	s9 =	simm.s32 $0x2  }
.LBB2_1:
0x11: {  	s21 =	sadd.s32 $0x0, s5  }
0x12: {  	[tilespmem:s3], [sflag:$0x2] =	stream.linear.gather [hbm4b:s21+s3], $0x190, $0x38;
	[tilespmem:$0xC990] =	vst v63  }
0x13: {  	_ =	swait.ge [sflag:s9], $0x190  }
0x14: {  	[sflag:s9] =	ssyncset.done $0x0  }
0x15: {  	[sflag:s9] =	ssyncadd.s32 $0xFFFFFE70  }
0x16: {  	[tilespmem:s11], [sflag:$0x1] =	stream.indirect.gather [hbm4b:s2+s10], $0x80, s3, s10, $0xb8;
	[tilespmem:$0xC990] =	vst v63  }
0x17: {  	_ = 	snop  }
0x18: {  	[tilespmem:s12], [sflag:$0x1] =	stream.indirect.gather [hbm4b:s2+s10], $0x80, s10, s10, $0xb8;
	[tilespmem:$0xC990] =	vst v63  }
0x19: {  	_ = 	snop  }
0x1a: {  	[tilespmem:s14], [sflag:$0x1] =	stream.indirect.gather [hbm4b:s2+s10], $0x80, s13, s10, $0xb8;
	[tilespmem:$0xC990] =	vst v63  }
0x1b: {  	_ = 	snop  }
0x1c: {  	[tilespmem:s16], [sflag:$0x1] =	stream.indirect.gather [hbm4b:s2+s10], $0x80, s15, s10, $0xb8;
	[tilespmem:$0xC990] =	vst v63  }
0x1d: {  	_ = 	snop  }
0x1e: {  	[tilespmem:s18], [sflag:$0x1] =	stream.indirect.gather [hbm4b:s2+s10], $0x80, s17, s10, $0xb8;
	[tilespmem:$0xC990] =	vst v63  }
0x1f: {  	_ =	swait.ge [sflag:s19], $0x2800  }
0x20: {  	[sflag:s19] =	ssyncset.done $0x0  }
0x21: {  	[sflag:s19] =	ssyncadd.s32 $0xFFFFD800  }
0x22: {  	_ =	swait.ge [sflag:s19], $0x2800  }
0x23: {  	[sflag:s19] =	ssyncset.done $0x0  }
0x24: {  	[sflag:s19] =	ssyncadd.s32 $0xFFFFD800  }
0x25: {  	_ =	swait.ge [sflag:s19], $0x2800  }
0x26: {  	[sflag:s19] =	ssyncset.done $0x0  }
0x27: {  	[sflag:s19] =	ssyncadd.s32 $0xFFFFD800  }
0x28: {  	_ =	swait.ge [sflag:s19], $0x2800  }
0x29: {  	[sflag:s19] =	ssyncset.done $0x0  }
0x2a: {  	[sflag:s19] =	ssyncadd.s32 $0xFFFFD800  }
0x2b: {  	_ =	swait.ge [sflag:s19], $0x2800  }
0x2c: {  	[sflag:s19] =	ssyncset.done $0x0  }
0x2d: {  	[sflag:s19] =	ssyncadd.s32 $0xFFFFD800  }
0x2e: {  	[hbm4b:s6+s3] =	stream.linear.scatter [tilespmem:s11], [sflag:$0x2], $0xC800, $0x38;
	[tilespmem:$0xC990] =	vst v63  }
0x2f: {  	s24 =	sadd.s32 $0x32, s5;
	_ =	swait.ge [sflag:s9], $0xC800  }
0x30: {  	s22 =	simm.s32 $0x64;
	s21 =	sadd.s32 $0x1900, s6;
	[sflag:s9] =	ssyncset.done $0x0  }
.LBB2_2:
0x31: {  	s25 =	sadd.s32 s22, s5;
	s23 =	simm.s32 $0x0;
	[sflag:s9] =	ssyncadd.s32 $0xFFFF3800  }
0x32: {  	[tilespmem:s23], [sflag:$0x2] =	stream.linear.gather [hbm4b:s24+s23], $0x190, $0x38;
	[tilespmem:$0xC990] =	vst v63  }
0x33: {  	p0 =	sne.s32 s22, $0x4B0;
	s22 =	sadd.s32 $0x32, s22;
	_ =	swait.ge [sflag:s9], $0x190  }
0x34: {  	s24 =	smov.u32 s25;
	[sflag:s9] =	ssyncset.done $0x0  }
0x35: {  	[sflag:s9] =	ssyncadd.s32 $0xFFFFFE70  }
0x36: {  	[tilespmem:s11], [sflag:$0x1] =	stream.indirect.gather [hbm4b:s2+s10], $0x80, s23, s10, $0xb8;
	[tilespmem:$0xC990] =	vst v63  }
0x37: {  	_ = 	snop  }
0x38: {  	[tilespmem:s12], [sflag:$0x1] =	stream.indirect.gather [hbm4b:s2+s10], $0x80, s10, s10, $0xb8;
	[tilespmem:$0xC990] =	vst v63  }
0x39: {  	_ = 	snop  }
0x3a: {  	[tilespmem:s14], [sflag:$0x1] =	stream.indirect.gather [hbm4b:s2+s10], $0x80, s13, s10, $0xb8;
	[tilespmem:$0xC990] =	vst v63  }
0x3b: {  	_ = 	snop  }
0x3c: {  	[tilespmem:s16], [sflag:$0x1] =	stream.indirect.gather [hbm4b:s2+s10], $0x80, s15, s10, $0xb8;
	[tilespmem:$0xC990] =	vst v63  }
0x3d: {  	_ = 	snop  }
0x3e: {  	[tilespmem:s18], [sflag:$0x1] =	stream.indirect.gather [hbm4b:s2+s10], $0x80, s17, s10, $0xb8;
	[tilespmem:$0xC990] =	vst v63  }
0x3f: {  	_ =	swait.ge [sflag:s19], $0x2800  }
0x40: {  	[sflag:s19] =	ssyncset.done $0x0  }
0x41: {  	[sflag:s19] =	ssyncadd.s32 $0xFFFFD800  }
0x42: {  	_ =	swait.ge [sflag:s19], $0x2800  }
0x43: {  	[sflag:s19] =	ssyncset.done $0x0  }
0x44: {  	[sflag:s19] =	ssyncadd.s32 $0xFFFFD800  }
0x45: {  	_ =	swait.ge [sflag:s19], $0x2800  }
0x46: {  	[sflag:s19] =	ssyncset.done $0x0  }
0x47: {  	[sflag:s19] =	ssyncadd.s32 $0xFFFFD800  }
0x48: {  	_ =	swait.ge [sflag:s19], $0x2800  }
0x49: {  	[sflag:s19] =	ssyncset.done $0x0  }
0x4a: {  	[sflag:s19] =	ssyncadd.s32 $0xFFFFD800  }
0x4b: {  	_ =	swait.ge [sflag:s19], $0x2800  }
.Ltmp0:
0x4c: {  	[sflag:s19] =	ssyncset.done $0x0;
	(pc) =	sbr.rel @p0 .LBB2_2-.Ltmp0, $4  }
0x4d: {  	[sflag:s19] =	ssyncadd.s32 $0xFFFFD800  }
0x4e: {  	[hbm4b:s21+s23] =	stream.linear.scatter [tilespmem:s11], [sflag:$0x2], $0xC800, $0x38;
	[tilespmem:$0xC990] =	vst v63  }
0x4f: {  	_ =	swait.ge [sflag:s9], $0xC800  }
0x50: {  	s21 =	sadd.s32 $0x1900, s21;
	[sflag:s9] =	ssyncset.done $0x0  }
0x51: {  	[sflag:s9] =	ssyncadd.s32 $0xFFFF3800  }
0x52: {  	[tilespmem:s23], [sflag:$0x2] =	stream.linear.gather [hbm4b:s24+s23], $0x190, $0x38;
	[tilespmem:$0xC990] =	vst v63  }
0x53: {  	_ =	swait.ge [sflag:s9], $0x190  }
0x54: {  	[sflag:s9] =	ssyncset.done $0x0  }
0x55: {  	[sflag:s9] =	ssyncadd.s32 $0xFFFFFE70  }
0x56: {  	[tilespmem:s11], [sflag:$0x1] =	stream.indirect.gather [hbm4b:s2+s10], $0x80, s23, s10, $0xb8;
	[tilespmem:$0xC990] =	vst v63  }
0x57: {  	_ = 	snop  }
0x58: {  	[tilespmem:s12], [sflag:$0x1] =	stream.indirect.gather [hbm4b:s2+s10], $0x80, s10, s10, $0xb8;
	[tilespmem:$0xC990] =	vst v63  }
0x59: {  	_ = 	snop  }
0x5a: {  	[tilespmem:s14], [sflag:$0x1] =	stream.indirect.gather [hbm4b:s2+s10], $0x80, s13, s10, $0xb8;
	[tilespmem:$0xC990] =	vst v63  }
0x5b: {  	_ = 	snop  }
0x5c: {  	[tilespmem:s16], [sflag:$0x1] =	stream.indirect.gather [hbm4b:s2+s10], $0x80, s15, s10, $0xb8;
	[tilespmem:$0xC990] =	vst v63  }
0x5d: {  	_ = 	snop  }
0x5e: {  	[tilespmem:s18], [sflag:$0x1] =	stream.indirect.gather [hbm4b:s2+s10], $0x80, s17, s10, $0xb8;
	[tilespmem:$0xC990] =	vst v63  }
0x5f: {  	_ =	swait.ge [sflag:s19], $0x2800  }
0x60: {  	[sflag:s19] =	ssyncset.done $0x0  }
0x61: {  	[sflag:s19] =	ssyncadd.s32 $0xFFFFD800  }
0x62: {  	_ =	swait.ge [sflag:s19], $0x2800  }
0x63: {  	[sflag:s19] =	ssyncset.done $0x0  }
0x64: {  	[sflag:s19] =	ssyncadd.s32 $0xFFFFD800  }
0x65: {  	_ =	swait.ge [sflag:s19], $0x2800  }
0x66: {  	[sflag:s19] =	ssyncset.done $0x0  }
0x67: {  	[sflag:s19] =	ssyncadd.s32 $0xFFFFD800  }
0x68: {  	_ =	swait.ge [sflag:s19], $0x2800  }
0x69: {  	[sflag:s19] =	ssyncset.done $0x0  }
0x6a: {  	[sflag:s19] =	ssyncadd.s32 $0xFFFFD800  }
0x6b: {  	_ =	swait.ge [sflag:s19], $0x2800  }
0x6c: {  	p1 =	por $0x1, $0x1;
	[sflag:s19] =	ssyncset.done $0x0  }
.Ltmp1:
0x6d: {  	[sflag:s19] =	ssyncadd.s32 $0xFFFFD800;
	(pc) =	sbr.rel @!p1 .LBB2_8-.Ltmp1, $4  }
0x6e: {  	[hbm4b:s21+s23] =	stream.linear.scatter [tilespmem:s11], [sflag:$0x2], $0xC800, $0x38;
	[tilespmem:$0xC990] =	vst v63  }
0x6f: {  	_ =	swait.ge [sflag:s9], $0xC800  }
0x70: {  	p0 =	por $0x0, $0x0;
	[sflag:s9] =	ssyncset.done $0x0  }
0x71: {  	s22 =	smov.u32 s8;
	s21 =	simm.s32 $0x32;
	[sflag:s9] =	ssyncadd.s32 $0xFFFF3800  }
0x72: {  	s22 =	sadd.s32 $0x0, s7  }
0x73: {  	[tilespmem:s3], [sflag:$0x2] =	stream.linear.gather [hbm4b:s22+s3], $0x190, $0x38;
	[tilespmem:$0xC990] =	vst v63  }
0x74: {  	_ =	swait.ge [sflag:s9], $0x190  }
0x75: {  	[sflag:s9] =	ssyncset.done $0x0  }
0x76: {  	[sflag:s9] =	ssyncadd.s32 $0xFFFFFE70  }
0x77: {  	[tilespmem:s11], [sflag:$0x1] =	stream.indirect.gather [hbm4b:s2+s10], $0x80, s3, s10, $0xb8;
	[tilespmem:$0xC990] =	vst v63  }
0x78: {  	_ = 	snop  }
0x79: {  	[tilespmem:s12], [sflag:$0x1] =	stream.indirect.gather [hbm4b:s2+s10], $0x80, s10, s10, $0xb8;
	[tilespmem:$0xC990] =	vst v63  }
0x7a: {  	_ = 	snop  }
0x7b: {  	[tilespmem:s14], [sflag:$0x1] =	stream.indirect.gather [hbm4b:s2+s10], $0x80, s13, s10, $0xb8;
	[tilespmem:$0xC990] =	vst v63  }
0x7c: {  	_ = 	snop  }
0x7d: {  	[tilespmem:s16], [sflag:$0x1] =	stream.indirect.gather [hbm4b:s2+s10], $0x80, s15, s10, $0xb8;
	[tilespmem:$0xC990] =	vst v63  }
0x7e: {  	_ = 	snop  }
0x7f: {  	[tilespmem:s18], [sflag:$0x1] =	stream.indirect.gather [hbm4b:s2+s10], $0x80, s17, s10, $0xb8;
	[tilespmem:$0xC990] =	vst v63  }
0x80: {  	_ =	swait.ge [sflag:s19], $0x2800  }
0x81: {  	[sflag:s19] =	ssyncset.done $0x0  }
0x82: {  	[sflag:s19] =	ssyncadd.s32 $0xFFFFD800  }
0x83: {  	_ =	swait.ge [sflag:s19], $0x2800  }
0x84: {  	[sflag:s19] =	ssyncset.done $0x0  }
0x85: {  	[sflag:s19] =	ssyncadd.s32 $0xFFFFD800  }
0x86: {  	_ =	swait.ge [sflag:s19], $0x2800  }
0x87: {  	[sflag:s19] =	ssyncset.done $0x0  }
0x88: {  	[sflag:s19] =	ssyncadd.s32 $0xFFFFD800  }
0x89: {  	_ =	swait.ge [sflag:s19], $0x2800  }
0x8a: {  	[sflag:s19] =	ssyncset.done $0x0  }
0x8b: {  	[sflag:s19] =	ssyncadd.s32 $0xFFFFD800  }
0x8c: {  	p1 =	por $0x1, $0x1;
	_ =	swait.ge [sflag:s19], $0x2800  }
.Ltmp2:
0x8d: {  	[sflag:s19] =	ssyncset.done $0x0;
	(pc) =	sbr.rel @!p1 .LBB2_5-.Ltmp2, $4  }
0x8e: {  	[sflag:s19] =	ssyncadd.s32 $0xFFFFD800  }
0x8f: {  	[hbm4b:s8+s3] =	stream.linear.scatter [tilespmem:s11], [sflag:$0x2], $0xC800, $0x38;
	[tilespmem:$0xC990] =	vst v63  }
0x90: {  	s23 =	simm.s32 $0x64;
	_ =	swait.ge [sflag:s9], $0xC800  }
0x91: {  	p0 =	por $0x1, $0x1;
	s22 =	sadd.s32 $0x1900, s8;
	[sflag:s9] =	ssyncset.done $0x0  }
.LBB2_6:
0x92: {  	s24 =	sadd.s32 s21, s7  }
0x93: {  	[sflag:s9] =	ssyncadd.s32 $0xFFFF3800;
	s21 =	smov.u32 s23;
	s25 =	sadd.s32 $0x32, s23  }
0x94: {  	[tilespmem:s3], [sflag:$0x2] =	stream.linear.gather [hbm4b:s24+s3], $0x190, $0x38;
	[tilespmem:$0xC990] =	vst v63  }
0x95: {  	p1 =	sne.s32 s23, $0x4B0;
	_ =	swait.ge [sflag:s9], $0x190  }
0x96: {  	[sflag:s9] =	ssyncset.done $0x0  }
0x97: {  	[sflag:s9] =	ssyncadd.s32 $0xFFFFFE70  }
0x98: {  	[tilespmem:s11], [sflag:$0x1] =	stream.indirect.gather [hbm4b:s2+s10], $0x80, s3, s10, $0xb8;
	[tilespmem:$0xC990] =	vst v63  }
0x99: {  	_ = 	snop  }
0x9a: {  	[tilespmem:s12], [sflag:$0x1] =	stream.indirect.gather [hbm4b:s2+s10], $0x80, s10, s10, $0xb8;
	[tilespmem:$0xC990] =	vst v63  }
0x9b: {  	_ = 	snop  }
0x9c: {  	[tilespmem:s14], [sflag:$0x1] =	stream.indirect.gather [hbm4b:s2+s10], $0x80, s13, s10, $0xb8;
	[tilespmem:$0xC990] =	vst v63  }
0x9d: {  	_ = 	snop  }
0x9e: {  	[tilespmem:s16], [sflag:$0x1] =	stream.indirect.gather [hbm4b:s2+s10], $0x80, s15, s10, $0xb8;
	[tilespmem:$0xC990] =	vst v63  }
0x9f: {  	_ = 	snop  }
0xa0: {  	[tilespmem:s18], [sflag:$0x1] =	stream.indirect.gather [hbm4b:s2+s10], $0x80, s17, s10, $0xb8;
	[tilespmem:$0xC990] =	vst v63  }
0xa1: {  	_ =	swait.ge [sflag:s19], $0x2800  }
0xa2: {  	[sflag:s19] =	ssyncset.done $0x0  }
0xa3: {  	[sflag:s19] =	ssyncadd.s32 $0xFFFFD800  }
0xa4: {  	_ =	swait.ge [sflag:s19], $0x2800  }
0xa5: {  	[sflag:s19] =	ssyncset.done $0x0  }
0xa6: {  	[sflag:s19] =	ssyncadd.s32 $0xFFFFD800  }
0xa7: {  	_ =	swait.ge [sflag:s19], $0x2800  }
0xa8: {  	[sflag:s19] =	ssyncset.done $0x0  }
0xa9: {  	[sflag:s19] =	ssyncadd.s32 $0xFFFFD800  }
0xaa: {  	_ =	swait.ge [sflag:s19], $0x2800  }
0xab: {  	[sflag:s19] =	ssyncset.done $0x0  }
0xac: {  	[sflag:s19] =	ssyncadd.s32 $0xFFFFD800  }
0xad: {  	_ =	swait.ge [sflag:s19], $0x2800  }
.Ltmp3:
0xae: {  	[sflag:s19] =	ssyncset.done $0x0;
	(pc) =	sbr.rel @p1 .LBB2_6-.Ltmp3, $4  }
0xaf: {  	[sflag:s19] =	ssyncadd.s32 $0xFFFFD800  }
0xb0: {  	[hbm4b:s22+s3] =	stream.linear.scatter [tilespmem:s11], [sflag:$0x2], $0xC800, $0x38;
	[tilespmem:$0xC990] =	vst v63  }
0xb1: {  	_ =	swait.ge [sflag:s9], $0xC800  }
0xb2: {  	s23 =	smov.u32 s25;
	s22 =	sadd.s32 $0x1900, s22;
	[sflag:s9] =	ssyncset.done $0x0  }
0xb3: {  	s23 =	smov.u32 s21  }
.LBB2_8:
0xb4: {  	s21 =	sadd.s32 s23, s7;
	[sflag:s9] =	ssyncadd.s32 @p0 $0xFFFF3800  }
0xb5: {  	[tilespmem:s3], [sflag:$0x2] =	stream.linear.gather [hbm4b:s21+s3], $0x190, $0x38;
	[tilespmem:$0xC990] =	vst v63  }
0xb6: {  	_ =	swait.ge [sflag:s9], $0x190  }
0xb7: {  	[sflag:s9] =	ssyncset.done $0x0  }
0xb8: {  	[sflag:s9] =	ssyncadd.s32 $0xFFFFFE70  }
0xb9: {  	[tilespmem:s11], [sflag:$0x1] =	stream.indirect.gather [hbm4b:s2+s10], $0x80, s3, s10, $0xb8;
	[tilespmem:$0xC990] =	vst v63  }
0xba: {  	_ = 	snop  }
0xbb: {  	[tilespmem:s12], [sflag:$0x1] =	stream.indirect.gather [hbm4b:s2+s10], $0x80, s10, s10, $0xb8;
	[tilespmem:$0xC990] =	vst v63  }
0xbc: {  	_ = 	snop  }
0xbd: {  	[tilespmem:s14], [sflag:$0x1] =	stream.indirect.gather [hbm4b:s2+s10], $0x80, s13, s10, $0xb8;
	[tilespmem:$0xC990] =	vst v63  }
0xbe: {  	_ = 	snop  }
0xbf: {  	[tilespmem:s16], [sflag:$0x1] =	stream.indirect.gather [hbm4b:s2+s10], $0x80, s15, s10, $0xb8;
	[tilespmem:$0xC990] =	vst v63  }
0xc0: {  	_ = 	snop  }
0xc1: {  	[tilespmem:s18], [sflag:$0x1] =	stream.indirect.gather [hbm4b:s2+s10], $0x80, s17, s10, $0xb8;
	[tilespmem:$0xC990] =	vst v63  }
0xc2: {  	_ =	swait.ge [sflag:s19], $0x2800  }
0xc3: {  	[sflag:s19] =	ssyncset.done $0x0  }
0xc4: {  	[sflag:s19] =	ssyncadd.s32 $0xFFFFD800  }
0xc5: {  	_ =	swait.ge [sflag:s19], $0x2800  }
0xc6: {  	[sflag:s19] =	ssyncset.done $0x0  }
0xc7: {  	[sflag:s19] =	ssyncadd.s32 $0xFFFFD800  }
0xc8: {  	_ =	swait.ge [sflag:s19], $0x2800  }
0xc9: {  	[sflag:s19] =	ssyncset.done $0x0  }
0xca: {  	[sflag:s19] =	ssyncadd.s32 $0xFFFFD800  }
0xcb: {  	_ =	swait.ge [sflag:s19], $0x2800  }
0xcc: {  	[sflag:s19] =	ssyncset.done $0x0  }
0xcd: {  	[sflag:s19] =	ssyncadd.s32 $0xFFFFD800  }
0xce: {  	_ =	swait.ge [sflag:s19], $0x2800  }
0xcf: {  	s20 =	sadd.s32 $0x1, s20;
	[sflag:s19] =	ssyncset.done $0x0  }
0xd0: {  	p0 =	sne.s32 s20, s4;
	[sflag:s19] =	ssyncadd.s32 $0xFFFFD800  }
0xd1: {  	[hbm4b:s22+s3] =	stream.linear.scatter [tilespmem:s11], [sflag:$0x2], $0xC800, $0x38;
	[tilespmem:$0xC990] =	vst v63  }
.Ltmp4:
0xd2: {  	_ = 	snop;
	(pc) =	sbr.rel @p0 .LBB2_1-.Ltmp4, $4  }
.Ltmp5:
0xd3: {  	_ = 	snop;
	(pc) =	sbr.rel @!p0 .LBB2_9-.Ltmp5, $4  }
0xd4: {  	_ =	swait.ge [sflag:s9], $0xC800  }
0xd5: {  	[sflag:s9] =	ssyncset.done $0x0  }
0xd6: {  	[sflag:s9] =	ssyncadd.s32 $0xFFFF3800  }
0xd7: {  	_ = 	snop  }
.LBB2_5:
.Ltmp6:
0xd8: {  	(pc) =	sbr.rel .LBB2_8-.Ltmp6, $2  }
0xd9: {  	_ =	sdelay $0x2  }
0xda: {  	s23 =	simm.s32 $0x32  }
.LBB2_9:
0xdb: {  	_ =	sfence.sel $0x180000  }
0xdc: {  	[bflag:$0x0] =	sbarrier.arrive $0xFFFF  }
0xdd: {  	p0 =	sne.s32 s1, $0x0;
	_ =	strace $0x90000047  }
0xde: {  	s0 =	sadd.s32 @!p0 $0x100000, s0;
	[bflag:$0x2] =	sbarrier.arrive $0xFFFF  }
0xdf: {  	[sflag:s0] =	ssyncadd.tile.s32 @!p0 $0x1;
	_ =	shalt  }
.Lfunc_end2:
_tile_overlayer_lowered:
.L_overlay_start_2:
0xe0: {  	(tag) =	ssettag $0x2  }
0xe1: {  	s0 =	rddreg [dreg:$0x0];
	s2 =	stileid.u32  }
0xe2: {  	s1 =	rddreg [dreg:$0x1];
	p0 =	sne.s32 s2, $0x0  }
0xe3: {  	s3 =	rddreg [dreg:$0x2];
	[bflag:$0x3] =	sbarrier.arrive $0xFFFF;
	s2 =	simm.s32 @!p0 $0x1C02  }
0xe4: {  	[timem:s3], [sflag:s2] =	dma.local @!p0 [hbm:s0], s1  }
0xe5: {  	s0 =	simm.s32 @!p0 $0x2  }
0xe6: {  	_ =	swait.ge @!p0 [sflag:s0], s1  }
0xe7: {  	s1 =	ssub.s32 @!p0 $0x0, s1;
	[sflag:s0] =	ssyncset.done @!p0 $0x0  }
0xe8: {  	[sflag:s0] =	ssyncadd.s32 @!p0 s1  }
0xe9: {  	[bflag:$0x3] =	sbarrier.arrive $0xFFFF  }
0xea: {  	_ =	shalt  }

// kernel: _run.9.cloned.1.call-start
scs
__scs_entry_jumppad:
0x0: {  	(pc) =	sbr.rel $0x88, $3  }
0x1: {  	(tag) =	ssettag $0x0;
	lr =	simm.s32 $0x1  }
0x2: {  	[smem:$0x3F9D] =	sst lr;
	_ =	strace $0xD0000000  }
0x3: {  	_ = 	snop  }
0x4: {  	_ = 	snop  }
0x5: {  	_ = 	snop  }
0x6: {  	_ = 	snop  }
0x7: {  	_ = 	snop  }
__scs_overlays_trampoline_lowered:
0x8: {  	[smem:$0x3FAC] =	sst s0  }
0x9: {  	[smem:$0x3FAD] =	sst s1  }
0xa: {  	[smem:$0x3FAE] =	sst s2  }
0xb: {  	[smem:$0x3FAF] =	sst s3  }
0xc: {  	[smem:$0x3FB0] =	sst s4  }
0xd: {  	[smem:$0x3FB1] =	sst s5  }
0xe: {  	[smem:$0x3FB2] =	sst s6  }
0xf: {  	[smem:$0x3FB3] =	sst s7  }
0x10: {  	[smem:$0x3FB4] =	sst s8  }
0x11: {  	[smem:$0x3FB5] =	sst s9;
	s0 =	simm.s32 @!p0 $0x0  }
0x12: {  	s1 =	sld [smem:$0x3F9B];
	s0 =	simm.s32 @p0 $0x1  }
0x13: {  	[smem:$0x3FB6] =	sst s0;
	s0 =	simm.s32 @!p1 $0x0  }
0x14: {  	s2 =	sld [smem:$0x3F9A];
	s0 =	simm.s32 @p1 $0x1  }
0x15: {  	[smem:$0x3FB7] =	sst s0;
	s0 =	simm.s32 @!p2 $0x0  }
0x16: {  	s3 =	sld [smem:$0x3FDB];
	s0 =	simm.s32 @p2 $0x1  }
0x17: {  	s4 =	simm.s32 $0x1BF5;
	[smem:$0x3FB9] =	sst s0  }
0x18: {  	s0 =	sld [smem:$0x3F9C];
	_ =	swait.ge [sflag:s4], $0x0  }
0x19: {  	s7 =	sld [smem:$0x3F9D]  }
0x1a: {  	s8 =	sadd.s32 $0xFFFFE003, lr  }
0x1b: {  	s9 =	sadd.s32 $0xFFFFFEF7, lr;
	s5 =	simm.s32 $0xFFFFFFFF;
	p2 =	slt.u32 s8, $0xFFFFF086  }
0x1c: {  	p1 =	slt.u32 s9, $0xF7A;
	s5 =	simm.s32 @!p2 $0x0  }
0x1d: {  	s5 =	simm.s32 @p1 $0x1;
	p0 =	seq.s32 s7, s2  }
0x1e: {  	s7 =	smul.u32 @!p0 $0xF7A, s2;
	p2 =	seq.s32 @!p0 s5, $0x0  }
0x1f: {  	s9 =	smul.u32 $0xF7A, s1;
	s8 =	simm.s32 @!p0 $0x1BF5;
	p2 =	por !p2, p0  }
0x20: {  	[sflag:s8] =	ssyncset.s32 @!p0 $0xFFFFF086;
	s6 =	sadd.s32 @!p0 s3, s7;
	s7 =	simm.s32 @!p0 $0x108  }
0x21: {  	s3 =	sadd.s32 s3, s9;
	s6 =	sadd.s32 @!p0 $0x88, s6;
	s7 =	simm.s32 @p2 $0x1082  }
0x22: {  	[simem:s7], [sflag:s8] =	dma.local @!p0 [hbm:s6], $0xF7A  }
0x23: {  	s9 =	sor.u32 $0xD0000000, s2;
	s6 =	simm.s32 $0x108;
	_ =	swait.ge @!p0 [sflag:s8], $0x0  }
0x24: {  	s3 =	sadd.s32 $0x88, s3;
	s6 =	simm.s32 @!p1 $0x1082;
	[sflag:s4] =	ssyncset.s32 $0xFFFFF086  }
0x25: {  	[simem:s6], [sflag:s4] =	dma.local [hbm:s3], $0xF7A  }
0x26: {  	[smem:$0x3F9D] =	sst s1;
	(tag) =	ssettag s2;
	_ =	strace s9  }
0x27: {  	s1 =	sld [smem:$0x3FAD]  }
0x28: {  	s2 =	sld [smem:$0x3FAE]  }
0x29: {  	s4 =	sld [smem:$0x3FB0]  }
0x2a: {  	p0 =	seq.s32 s5, $0x0;
	s5 =	sld [smem:$0x3FB1]  }
0x2b: {  	s6 =	sld [smem:$0x3FB2]  }
0x2c: {  	s7 =	sld [smem:$0x3FB3]  }
0x2d: {  	s3 =	simm.s32 $0x108;
	s8 =	sld [smem:$0x3FB4]  }
0x2e: {  	s3 =	simm.s32 @!p0 $0x1082;
	s9 =	sld [smem:$0x3FB5]  }
0x2f: {  	lr =	sadd.s32 s0, s3;
	s0 =	sld [smem:$0x3FAC]  }
0x30: {  	s3 =	sld [smem:$0x3FAF]  }
0x31: {  	[smem:$0x3FB8] =	sst s10  }
0x32: {  	s10 =	sld [smem:$0x3FB6];
	_ =	sdelay $0x3  }
0x33: {  	p0 =	seq.s32 s10, $0x1;
	s10 =	sld [smem:$0x3FB8];
	_ =	sdelay $0x3  }
0x34: {  	[smem:$0x3FB8] =	sst s10  }
0x35: {  	s10 =	sld [smem:$0x3FB7];
	_ =	sdelay $0x3  }
0x36: {  	p1 =	seq.s32 s10, $0x1;
	s10 =	sld [smem:$0x3FB8];
	_ =	sdelay $0x3  }
0x37: {  	[smem:$0x3FB8] =	sst s10  }
0x38: {  	s10 =	sld [smem:$0x3FB9]  }
0x39: {  	_ = 	snop;
	(pc) =	sbr.ind lr, $3  }
0x3a: {  	_ = 	snop  }
0x3b: {  	_ = 	snop  }
0x3c: {  	p2 =	seq.s32 s10, $0x1;
	s10 =	sld [smem:$0x3FB8]  }
0x3d: {  	_ =	shalt  }
0x3e: {  	_ =	shalt  }
0x3f: {  	_ =	shalt  }
0x40: {  	_ =	shalt  }
0x41: {  	_ =	shalt  }
0x42: {  	_ =	shalt  }
0x43: {  	_ =	shalt  }
0x44: {  	_ =	shalt  }
0x45: {  	_ =	shalt  }
0x46: {  	_ =	shalt  }
0x47: {  	_ =	shalt  }
0x48: {  	_ =	shalt  }
0x49: {  	_ =	shalt  }
0x4a: {  	_ =	shalt  }
0x4b: {  	_ =	shalt  }
0x4c: {  	_ =	shalt  }
0x4d: {  	_ =	shalt  }
0x4e: {  	_ =	shalt  }
0x4f: {  	_ =	shalt  }
0x50: {  	_ =	shalt  }
0x51: {  	_ =	shalt  }
0x52: {  	_ =	shalt  }
0x53: {  	_ =	shalt  }
0x54: {  	_ =	shalt  }
0x55: {  	_ =	shalt  }
0x56: {  	_ =	shalt  }
0x57: {  	_ =	shalt  }
0x58: {  	_ =	shalt  }
0x59: {  	_ =	shalt  }
0x5a: {  	_ =	shalt  }
0x5b: {  	_ =	shalt  }
0x5c: {  	_ =	shalt  }
0x5d: {  	_ =	shalt  }
0x5e: {  	_ =	shalt  }
0x5f: {  	_ =	shalt  }
0x60: {  	_ =	shalt  }
0x61: {  	_ =	shalt  }
0x62: {  	_ =	shalt  }
0x63: {  	_ =	shalt  }
0x64: {  	_ =	shalt  }
0x65: {  	_ =	shalt  }
0x66: {  	_ =	shalt  }
0x67: {  	_ =	shalt  }
0x68: {  	_ =	shalt  }
0x69: {  	_ =	shalt  }
0x6a: {  	_ =	shalt  }
0x6b: {  	_ =	shalt  }
0x6c: {  	_ =	shalt  }
0x6d: {  	_ =	shalt  }
0x6e: {  	_ =	shalt  }
0x6f: {  	_ =	shalt  }
0x70: {  	_ =	shalt  }
0x71: {  	_ =	shalt  }
0x72: {  	_ =	shalt  }
0x73: {  	_ =	shalt  }
0x74: {  	_ =	shalt  }
0x75: {  	_ =	shalt  }
0x76: {  	_ =	shalt  }
0x77: {  	_ =	shalt  }
0x78: {  	_ =	shalt  }
0x79: {  	_ =	shalt  }
0x7a: {  	_ =	shalt  }
0x7b: {  	_ =	shalt  }
0x7c: {  	_ =	shalt  }
0x7d: {  	_ =	shalt  }
0x7e: {  	_ =	shalt  }
0x7f: {  	_ =	shalt  }
0x80: {  	_ =	shalt  }
0x81: {  	_ =	shalt  }
0x82: {  	_ =	shalt  }
0x83: {  	_ =	shalt  }
0x84: {  	_ =	shalt  }
0x85: {  	_ =	shalt  }
0x86: {  	_ =	shalt  }
0x87: {  	_ =	shalt  }
.Lfunc_end0:
.L_simem_size_0:
called_computation.1_lowered:
.L_overlay_start_0:
0x88: {  	s2 =	sld [smem:$0x3FD9]  }
0x89: {  	s3 =	sld [smem:$0x3FFE];
	_ =	sdelay $0x1  }
0x8a: {  	s1 =	srdreg.scid  }
0x8b: {  	s0 =	sand.u32 $0x1, s1  }
0x8c: {  	s17 =	sshll.u32 s0, $0xA;
	s2 =	sadd.s32 s3, s2  }
0x8d: {  	s2 =	sadd.s32 s2, s17  }
0x8e: {  	[smem:$0x3FC4] =	sst s2  }
0x8f: {  	_ = 	snop  }
0x90: {  	s2 =	sld [smem:$0x3FD0];
	(tm) =	ssettm $0x1  }
0x91: {  	s18 =	sld [smem:$0x3FFB];
	_ =	sdelay $0x3  }
0x92: {  	_ =	strace s18  }
0x93: {  	s3 =	sld [smem:$0x3FFC];
	_ =	sdelay $0x3  }
0x94: {  	_ =	strace s3  }
0x95: {  	s3 =	sld [smem:$0x3FFD];
	_ =	sdelay $0x3  }
0x96: {  	_ =	strace s3  }
0x97: {  	_ =	strace $0x8FFFFFFF  }
0x98: {  	s19 =	sld [smem:$0x3FDB];
	_ =	sdelay $0x1  }
0x99: {  	s4 =	simm.s32 $_scs_section_size  }
0x9a: {  	s5 =	simm.s32 $_size__tile_overlayer_lowered;
	s6 =	simm.s32 $_tile_overlayer_lowered  }
0x9b: {  	s22 =	simm.s32 $0x1BFF;
	s21 =	sshll.u32 s6, $0x1;
	s3 =	sadd.s32 s4, s19  }
0x9c: {  	s7 =	simm.s32 $0x0;
	s20 =	sshll.u32 s5, $0x1;
	s5 =	sadd.s32 s21, s3  }
0x9d: {  	[timem:s7], [sflag:s22] =	dma.local [hbm:s5], s20  }
0x9e: {  	_ =	swait.ge [sflag:s22], s20  }
0x9f: {  	s4 =	ssub.s32 $0x0, s20;
	[sflag:s22] =	ssyncset.done $0x0  }
0xa0: {  	[sflag:s22] =	ssyncadd.s32 s4;
	_ =	sdelay $0x1  }
0xa1: {  	s23 =	simm.s32 $0x1B8B  }
0xa2: {  	_ =	swait.ge [sflag:s23], $0x1  }
0xa3: {  	[sflag:s23] =	ssyncset.done $0x0  }
0xa4: {  	s25 =	simm.s32 $0x1B8E;
	s24 =	sld [smem:$0x3FFE];
	[sflag:s23] =	ssyncadd.s32 $0xFFFFFFFF  }
0xa5: {  	s26 =	simm.s32 $execute0_lowered;
	[smem:$0x3FD2] =	sst s25  }
0xa6: {  	s5 =	sshll.u32 s26, $0x1;
	_ =	strace $0x80000049;
	[dreg:$0x1] =	wrdreg $0xFFFFFFFF  }
0xa7: {  	s28 =	simm.s32 $_size_execute0_lowered;
	s3 =	sadd.s32 s3, s5;
	[dreg:$0x0] =	wrdreg $0x0  }
0xa8: {  	s5 =	sshll.u32 s28, $0x1;
	[dreg:$0x2] =	wrdreg s3  }
0xa9: {  	[dreg:$0x3] =	wrdreg s5  }
0xaa: {  	[dreg:$0x4] =	wrdreg $0xC0  }
0xab: {  	_ =	task [dreg:s7], $0x5FFFF  }
0xac: {  	[dreg:$0x1] =	wrdreg $0xFFFFFFFF  }
0xad: {  	[dreg:$0x0] =	wrdreg $0x60  }
0xae: {  	[dreg:$0x2] =	wrdreg s24  }
0xaf: {  	[dreg:$0x3] =	wrdreg s2  }
0xb0: {  	[dreg:$0x4] =	wrdreg $0xE5D00  }
0xb1: {  	[dreg:$0x5] =	wrdreg $0x182500  }
0xb2: {  	[dreg:$0x6] =	wrdreg $0x9  }
0xb3: {  	_ =	task.clear_ibuf [dreg:s7], $0x7FFFF;
	_ =	strace $0x90000049  }
0xb4: {  	s29 =	simm.s32 $0x9;
	_ =	strace $0x8000004B  }
0xb5: {  	_ =	swait.ge [sflag:s29], $0x1  }
0xb6: {  	[sflag:s29] =	ssyncadd.s32 $0xFFFFFFFF  }
0xb7: {  	_ =	strace $0x9000004B  }
0xb8: {  	_ =	sfence  }
0xb9: {  	s30 =	sld [smem:$0x0];
	_ =	sdelay $0x2  }
0xba: {  	s31 =	sshll.u32 s1, $0xD;
	s1 =	sshrl.u32 s1, $0x2  }
0xbb: {  	s3 =	sand.u32 $0x4000, s31;
	s1 =	sadd.s32 s1, s30  }
0xbc: {  	s0 =	sor.u32 s3, s0;
	s1 =	sshll.u32 s1, $0x11  }
0xbd: {  	s0 =	sor.u32 s1, s0  }
0xbe: {  	s0 =	sadd.s32 $0x8F2B, s0  }
0xbf: {  	[sflag:s0] =	ssyncadd.remote.s32 $0x1  }
0xc0: {  	_ =	sfence.sel $0xFFFF  }
0xc1: {  	[dreg:$0x0] =	wrdreg $0xFFFFFFFF;
	(pc) =	sbr.abs _section_cstart, $3  }
0xc2: {  	[dreg:$0x1] =	wrdreg $0xFFFFFFFF  }
0xc3: {  	_ =	task.clear_ibuf [dreg:s7], $0x2FFFF;
	_ =	strace $0x9FFFFFFF  }
0xc4: {  	(tm) =	ssettm $0x7FFFFFFF  }
0xc5: {  	_ =	shalt  }
tec
execute0_lowered:
.L_overlay_start_1:
0x0: {  	(tag) =	ssettag $0x1  }
0x1: {  	s8 =	rddreg [dreg:$0x0]  }
0x2: {  	s12 =	rddreg [dreg:$0x1]  }
0x3: {  	s2 =	rddreg [dreg:$0x2]  }
0x4: {  	s3 =	rddreg [dreg:$0x3]  }
0x5: {  	s1 =	stileid.u32;
	s0 =	rddreg [dreg:$0x4]  }
0x6: {  	s7 =	srdreg.scid;
	s5 =	smul.u32 $0x4E200, s1  }
0x7: {  	s4 =	simm.s32 $0x0;
	s18 =	simm.s32 $0x1;
	s6 =	smul.u32 $0x9C4, s1  }
0x8: {  	s19 =	simm.s32 $0xD150;
	s21 =	simm.s32 $0x50;
	s28 =	smul.u32 $0x138, s1  }
0x9: {  	s22 =	simm.s32 $0x0;
	s9 =	sand.u32 $0x1, s7;
	s10 =	smul.u32 $0x27000, s1  }
0xa: {  	[smem:$0x7FF] =	sst s4;
	s14 =	smul.u32 $0x4E00, s1;
	s7 =	sadd.s32 $0xC600, s8  }
0xb: {  	p0 =	sne.s32 s1, $0xF;
	s20 =	smul.u32 $0x1388, s9;
	_ =	strace $0x8000004A  }
0xc: {  	s29 =	ssub.s32 $0x2, s9;
	s15 =	sadd.s32 s5, s8;
	s16 =	sadd.s32 s6, s8  }
0xd: {  	s5 =	sadd.s32 $0xAC00, s8;
	s6 =	sadd.s32 $0xC200, s8;
	s9 =	sshrl.u32 s29, $0x1  }
0xe: {  	s10 =	sshrl.u32 s10, $0x2;
	s30 =	sshrl.u32 s14, $0x2;
	s13 =	sadd.s32 s28, s20  }
0xf: {  	s31 =	ssub.s32 s29, s9;
	s9 =	sadd.s32 s30, s3;
	s15 =	sadd.s32 $0xEB0C00, s15  }
0x10: {  	s16 =	sadd.s32 $0xE00, s16;
	v0 =	vmov s20;
	s20 =	simm.s32 $0x2850;
	s11 =	sshll.u32 s13, $0x1  }
0x11: {  	s13 =	sshll.u32 s13, $0x4;
	s14 =	smax.u32 s31, $0x1;
	s17 =	sadd.s32 s11, s8  }
0x12: {  	s8 =	sadd.s32 s10, s2;
	s10 =	sadd.s32 $0x9C000, s2;
	s11 =	sadd.s32 $0x13800, s3  }
0x13: {  	s12 =	sadd.s32 s12, s13;
	s13 =	sadd.s32 $0xC800, s17;
	s17 =	simm.s32 $0x2D50  }
.LBB2_1:
0x14: {  	[tilespmem:s17], [sflag:$0x1] =	stream.linear.gather [hbm4b:s5+s4], $0xA400, $0x38;
	[tilespmem:$0x195E0] =	vst v63  }
0x15: {  	_ =	swait.ge [sflag:s18], $0xA400  }
0x16: {  	[sflag:s18] =	ssyncset.done $0x0  }
0x17: {  	[sflag:s18] =	ssyncadd.s32 $0xFFFF5C00  }
0x18: {  	[tilespmem:s19], [sflag:$0x1] =	stream.linear.gather [hbm4b:s6+s4], $0x1480, $0x38;
	[tilespmem:$0x195E0] =	vst v63  }
0x19: {  	_ =	swait.ge [sflag:s18], $0x1480  }
0x1a: {  	[sflag:s18] =	ssyncset.done $0x0  }
0x1b: {  	[sflag:s18] =	ssyncadd.s32 $0xFFFFEB80  }
0x1c: {  	[spmem:s8] =	stream.linear.scatter [tilespmem:s17], [sflag:$0x1], $0x9C00, $0x38;
	[tilespmem:$0x195E0] =	vst v63  }
0x1d: {  	_ =	swait.ge [sflag:s18], $0x9C00  }
0x1e: {  	[sflag:s18] =	ssyncset.done $0x0  }
0x1f: {  	[sflag:s18] =	ssyncadd.s32 $0xFFFF6400  }
0x20: {  	[spmem:s9] =	stream.linear.scatter [tilespmem:s19], [sflag:$0x1], $0x1380, $0x38;
	[tilespmem:$0x195E0] =	vst v63  }
0x21: {  	_ =	swait.ge [sflag:s18], $0x1380  }
0x22: {  	[sflag:s18] =	ssyncset.done $0x0  }
0x23: {  	s23 =	simm.s32 @!p0 $0xC950;
	[sflag:s18] =	ssyncadd.s32 $0xFFFFEC80  }
0x24: {  	[spmem:s10] =	stream.linear.scatter @!p0 [tilespmem:s23], [sflag:$0x1], $0x800, $0x38;
	[tilespmem:$0x195E0] =	vst v63  }
0x25: {  	s23 =	simm.s32 @!p0 $0x1  }
0x26: {  	_ =	swait.ge @!p0 [sflag:s23], $0x800  }
0x27: {  	[sflag:s23] =	ssyncset.done @!p0 $0x0  }
0x28: {  	s24 =	simm.s32 @!p0 $0xE4D0;
	[sflag:s23] =	ssyncadd.s32 @!p0 $0xFFFFF800  }
0x29: {  	[spmem:s11] =	stream.linear.scatter @!p0 [tilespmem:s24], [sflag:$0x1], $0x100, $0x38;
	[tilespmem:$0x195E0] =	vst v63  }
0x2a: {  	_ =	swait.ge @!p0 [sflag:s23], $0x100  }
0x2b: {  	[sflag:s23] =	ssyncset.done @!p0 $0x0  }
0x2c: {  	[sflag:s23] =	ssyncadd.s32 @!p0 $0xFFFFFF00  }
0x2d: {  	[tilespmem:s20], [sflag:$0x1] =	stream.linear.gather [hbm4b:s7+s4], $0x500, $0x38;
	[tilespmem:$0x195E0] =	vst v63  }
0x2e: {  	_ =	swait.ge [sflag:s18], $0x500  }
0x2f: {  	[sflag:s18] =	ssyncset.done $0x0  }
0x30: {  	[sflag:s18] =	ssyncadd.s32 $0xFFFFFB00  }
0x31: {  	s31 =	sadd.s32 $0x0, s16;
	[bflag:$0x0] =	sbarrier.arrive $0xFFFF  }
0x32: {  	[tilespmem:s4], [sflag:$0x1] =	stream.linear.gather [hbm4b:s31+s4], $0x50, $0x38;
	[tilespmem:$0x195E0] =	vst v63  }
0x33: {  	_ =	swait.ge [sflag:s18], $0x50  }
0x34: {  	[sflag:s18] =	ssyncset.done $0x0  }
0x35: {  	[sflag:s18] =	ssyncadd.s32 $0xFFFFFFB0  }
0x36: {  	[tilespmem:s21], [sflag:$0x1] =	stream.linear.gather [hbm4b:s15+s4], $0x2800, $0x38;
	[tilespmem:$0x195E0] =	vst v63  }
0x37: {  	_ =	swait.ge [sflag:s18], $0x2800  }
0x38: {  	[sflag:s18] =	ssyncset.done $0x0  }
0x39: {  	[sflag:s18] =	ssyncadd.s32 $0xFFFFD800  }
0x3a: {  	v1 =	vld [tilespmem:$0x40]  }
0x3b: {  	v2 =	vld [tilespmem:$0x30]  }
0x3c: {  	v3 =	vld [tilespmem:$0x20]  }
0x3d: {  	v4 =	vld [tilespmem:$0x10]  }
0x3e: {  	v5 =	vld [tilespmem:$0x0]  }
0x3f: {  	v1 =	vsub.s32 v1, v0  }
0x40: {  	v2 =	vsub.s32 v2, v0;
	v1 =	vmin.u32 v1, $0x1388  }
0x41: {  	v3 =	vsub.s32 v3, v0;
	v2 =	vmin.u32 v2, $0x1388;
	[tilespmem:$0x40] =	vst v1  }
0x42: {  	v3 =	vmin.u32 v3, $0x1388;
	v1 =	vsub.s32 v4, v0;
	[tilespmem:$0x30] =	vst v2  }
0x43: {  	v2 =	vsub.s32 v5, v0;
	[tilespmem:$0x20] =	vst v3;
	v1 =	vmin.u32 v1, $0x1388  }
0x44: {  	v2 =	vmin.u32 v2, $0x1388;
	[tilespmem:$0x10] =	vst v1  }
0x45: {  	[tilespmem:$0x0] =	vst v2  }
0x46: {  	[spmem:s2] =	stream.indirect.scatter.add.f32 [tilespmem:s21], [sflag:$0x1], $0x80, s4, s21, $0xb8;
	[tilespmem:$0x195E0] =	vst v63  }
0x47: {  	_ =	swait.ge [sflag:s18], $0x2800  }
0x48: {  	s24 =	smov.u32 s15;
	s23 =	simm.s32 $0xA;
	[sflag:s18] =	ssyncset.done $0x0  }
.LBB2_2:
0x49: {  	p1 =	sne.s32 s23, $0x9BA;
	[sflag:s18] =	ssyncadd.s32 $0xFFFFD800;
	s24 =	sadd.s32 $0x500, s24  }
0x4a: {  	[spmem:s3] =	stream.indirect.scatter.add.f32 [tilespmem:s20], [sflag:$0x1], $0x10, s4, s21, $0xb8;
	[tilespmem:$0x195E0] =	vst v63  }
0x4b: {  	s25 =	smov.u32 s23;
	s23 =	sadd.s32 $0xA, s23;
	_ =	swait.ge [sflag:s18], $0x500  }
0x4c: {  	[sflag:s18] =	ssyncset.done $0x0  }
0x4d: {  	s25 =	sadd.s32 s25, s16;
	[sflag:s18] =	ssyncadd.s32 $0xFFFFFB00  }
0x4e: {  	[tilespmem:s4], [sflag:$0x1] =	stream.linear.gather [hbm4b:s25+s4], $0x50, $0x38;
	[tilespmem:$0x195E0] =	vst v63  }
0x4f: {  	_ =	swait.ge [sflag:s18], $0x50  }
0x50: {  	[sflag:s18] =	ssyncset.done $0x0  }
0x51: {  	[sflag:s18] =	ssyncadd.s32 $0xFFFFFFB0  }
0x52: {  	[tilespmem:s21], [sflag:$0x1] =	stream.linear.gather [hbm4b:s24+s4], $0x2800, $0x38;
	[tilespmem:$0x195E0] =	vst v63  }
0x53: {  	_ =	swait.ge [sflag:s18], $0x2800  }
0x54: {  	[sflag:s18] =	ssyncset.done $0x0  }
0x55: {  	[sflag:s18] =	ssyncadd.s32 $0xFFFFD800  }
0x56: {  	v1 =	vld [tilespmem:$0x40]  }
0x57: {  	v2 =	vld [tilespmem:$0x30]  }
0x58: {  	v3 =	vld [tilespmem:$0x20]  }
0x59: {  	v4 =	vld [tilespmem:$0x10]  }
0x5a: {  	v5 =	vld [tilespmem:$0x0]  }
0x5b: {  	v1 =	vsub.s32 v1, v0  }
0x5c: {  	v2 =	vsub.s32 v2, v0;
	v1 =	vmin.u32 v1, $0x1388  }
0x5d: {  	v3 =	vsub.s32 v3, v0;
	v2 =	vmin.u32 v2, $0x1388;
	[tilespmem:$0x40] =	vst v1  }
0x5e: {  	v1 =	vsub.s32 v4, v0;
	v3 =	vmin.u32 v3, $0x1388;
	[tilespmem:$0x30] =	vst v2  }
0x5f: {  	v2 =	vsub.s32 v5, v0;
	v1 =	vmin.u32 v1, $0x1388;
	[tilespmem:$0x20] =	vst v3  }
.Ltmp0:
0x60: {  	v2 =	vmin.u32 v2, $0x1388;
	[tilespmem:$0x10] =	vst v1;
	(pc) =	sbr.rel @p1 .LBB2_2-.Ltmp0, $4  }
0x61: {  	[tilespmem:$0x0] =	vst v2  }
0x62: {  	[spmem:s2] =	stream.indirect.scatter.add.f32 [tilespmem:s21], [sflag:$0x1], $0x80, s4, s21, $0xb8;
	[tilespmem:$0x195E0] =	vst v63  }
0x63: {  	_ =	swait.ge [sflag:s18], $0x2800  }
0x64: {  	[sflag:s18] =	ssyncset.done $0x0  }
0x65: {  	[sflag:s18] =	ssyncadd.s32 $0xFFFFD800  }
0x66: {  	[spmem:s3] =	stream.indirect.scatter.add.f32 [tilespmem:s20], [sflag:$0x1], $0x10, s4, s21, $0xb8;
	[tilespmem:$0x195E0] =	vst v63  }
0x67: {  	_ =	swait.ge [sflag:s18], $0x500  }
0x68: {  	[sflag:s18] =	ssyncset.done $0x0  }
0x69: {  	[sflag:s18] =	ssyncadd.s32 $0xFFFFFB00  }
0x6a: {  	[bflag:$0x0] =	sbarrier.arrive $0xFFFF  }
0x6b: {  	[tilespmem:s17], [sflag:$0x1] =	stream.linear.gather [spmem:s8], $0x9C00, $0x38;
	[tilespmem:$0x195E0] =	vst v63  }
0x6c: {  	_ =	swait.ge [sflag:s18], $0x9C00  }
0x6d: {  	[sflag:s18] =	ssyncset.done $0x0  }
0x6e: {  	[sflag:s18] =	ssyncadd.s32 $0xFFFF6400  }
0x6f: {  	[tilespmem:s19], [sflag:$0x1] =	stream.linear.gather [spmem:s9], $0x1380, $0x38;
	[tilespmem:$0x195E0] =	vst v63  }
0x70: {  	_ =	swait.ge [sflag:s18], $0x1380  }
0x71: {  	[sflag:s18] =	ssyncset.done $0x0  }
0x72: {  	s23 =	simm.s32 @p0 $0x0;
	s24 =	simm.s32 @p0 $0x2D50;
	[sflag:s18] =	ssyncadd.s32 $0xFFFFEC80  }
0x73: {  	[hbm4b:s12+s23] =	stream.linear.scatter @p0 [tilespmem:s24], [sflag:$0x1], $0x9C00, $0x38;
	[tilespmem:$0x195E0] =	vst v63  }
0x74: {  	s24 =	simm.s32 @p0 $0x1  }
0x75: {  	_ =	swait.ge @p0 [sflag:s24], $0x9C00  }
0x76: {  	[sflag:s24] =	ssyncset.done @p0 $0x0  }
0x77: {  	s25 =	simm.s32 @p0 $0xD150;
	[sflag:s24] =	ssyncadd.s32 @p0 $0xFFFF6400  }
0x78: {  	[hbm4b:s13+s23] =	stream.linear.scatter @p0 [tilespmem:s25], [sflag:$0x1], $0x1380, $0x38;
	[tilespmem:$0x195E0] =	vst v63  }
0x79: {  	_ =	swait.ge @p0 [sflag:s24], $0x1380  }
0x7a: {  	[sflag:s24] =	ssyncset.done @p0 $0x0  }
0x7b: {  	s23 =	simm.s32 @!p0 $0xC950;
	[sflag:s24] =	ssyncadd.s32 @p0 $0xFFFFEC80  }
0x7c: {  	[tilespmem:s23], [sflag:$0x1] =	stream.linear.gather @!p0 [spmem:s10], $0x400, $0x38;
	[tilespmem:$0x195E0] =	vst v63  }
0x7d: {  	s23 =	simm.s32 @!p0 $0x1  }
0x7e: {  	_ =	swait.ge @!p0 [sflag:s23], $0x400  }
0x7f: {  	[sflag:s23] =	ssyncset.done @!p0 $0x0  }
0x80: {  	s24 =	simm.s32 @!p0 $0xE4D0;
	[sflag:s23] =	ssyncadd.s32 @!p0 $0xFFFFFC00  }
0x81: {  	[tilespmem:s24], [sflag:$0x1] =	stream.linear.gather @!p0 [spmem:s11], $0x80, $0x38;
	[tilespmem:$0x195E0] =	vst v63  }
0x82: {  	_ =	swait.ge @!p0 [sflag:s23], $0x80  }
0x83: {  	[sflag:s23] =	ssyncset.done @!p0 $0x0  }
0x84: {  	s25 =	simm.s32 @!p0 $0x2D50;
	s24 =	simm.s32 @!p0 $0x0;
	[sflag:s23] =	ssyncadd.s32 @!p0 $0xFFFFFF80  }
0x85: {  	[hbm4b:s12+s24] =	stream.linear.scatter @!p0 [tilespmem:s25], [sflag:$0x1], $0xA000, $0x38;
	[tilespmem:$0x195E0] =	vst v63  }
0x86: {  	s22 =	sadd.s32 $0x1, s22;
	_ =	swait.ge @!p0 [sflag:s23], $0xA000  }
0x87: {  	p1 =	sne.s32 s22, s14;
	[sflag:s23] =	ssyncset.done @!p0 $0x0  }
.Ltmp1:
0x88: {  	s25 =	simm.s32 @!p0 $0xD150;
	[sflag:s23] =	ssyncadd.s32 @!p0 $0xFFFF6000;
	(pc) =	sbr.rel @p1 .LBB2_1-.Ltmp1, $4  }
0x89: {  	[hbm4b:s13+s24] =	stream.linear.scatter @!p0 [tilespmem:s25], [sflag:$0x1], $0x1400, $0x38;
	[tilespmem:$0x195E0] =	vst v63  }
0x8a: {  	_ =	swait.ge @!p0 [sflag:s23], $0x1400  }
0x8b: {  	[sflag:s23] =	ssyncset.done @!p0 $0x0  }
0x8c: {  	[sflag:s23] =	ssyncadd.s32 @!p0 $0xFFFFEC00  }
0x8d: {  	_ =	sfence.sel $0x180000  }
0x8e: {  	[bflag:$0x0] =	sbarrier.arrive $0xFFFF  }
0x8f: {  	p0 =	sne.s32 s1, $0x0;
	_ =	strace $0x9000004A  }
0x90: {  	s0 =	sadd.s32 @!p0 $0x100000, s0;
	[bflag:$0x2] =	sbarrier.arrive $0xFFFF  }
0x91: {  	[sflag:s0] =	ssyncadd.tile.s32 @!p0 $0x1;
	_ =	shalt  }
.Lfunc_end2:
_tile_overlayer_lowered:
.L_overlay_start_2:
0x92: {  	(tag) =	ssettag $0x2  }
0x93: {  	s0 =	rddreg [dreg:$0x0];
	s2 =	stileid.u32  }
0x94: {  	s1 =	rddreg [dreg:$0x1];
	p0 =	sne.s32 s2, $0x0  }
0x95: {  	s3 =	rddreg [dreg:$0x2];
	[bflag:$0x3] =	sbarrier.arrive $0xFFFF;
	s2 =	simm.s32 @!p0 $0x1C01  }
0x96: {  	[timem:s3], [sflag:s2] =	dma.local @!p0 [hbm:s0], s1  }
0x97: {  	s0 =	simm.s32 @!p0 $0x1  }
0x98: {  	_ =	swait.ge @!p0 [sflag:s0], s1  }
0x99: {  	s1 =	ssub.s32 @!p0 $0x0, s1;
	[sflag:s0] =	ssyncset.done @!p0 $0x0  }
0x9a: {  	[sflag:s0] =	ssyncadd.s32 @!p0 s1  }
0x9b: {  	[bflag:$0x3] =	sbarrier.arrive $0xFFFF  }
0x9c: {  	_ =	shalt  }

</sc_bundles>
